<compile_context>
chip_gen: v7x
topology: tpu7x:2x2x1
jax: 0.10.2.dev20260603
libtpu: 0.0.44.dev20260713+nightly
codegen_flags: <defaults>
</compile_context>

<pallas_src>
import functools

import jax
import jax.numpy as jnp
from jax import lax
from jax.experimental import pallas as pl
from jax.experimental.pallas import tpu as pltpu
from jax.experimental.pallas import tpu_sc as plsc

_CAPF = 1.25
_K = 8
_BT = 512
_CHUNK = 256


def _gate_kernel(x_ref, w_ref, sel_ref,
                 idx_ref, wts_ref, choff_ref,
                 counts_ref, avgp_ref, ent_ref, gini_ref, ctr_ref, drop_ref,
                 ibuf_ref, vbuf_ref, acc_counts, acc_probs, acc_ent,
                 *, bt, e, k, nt, cap):
    i = pl.program_id(0)
    nsteps = pl.num_programs(0)

    @pl.when(i == 0)
    def _init():
        acc_counts[...] = jnp.zeros_like(acc_counts)
        acc_probs[...] = jnp.zeros_like(acc_probs)
        acc_ent[...] = jnp.zeros_like(acc_ent)

    logits = jax.lax.dot_general(w_ref[...], x_ref[...],
                                 (((1,), (1,)), ((), ())),
                                 preferred_element_type=jnp.float32)
    m = jnp.max(logits, axis=0, keepdims=True)
    el = jnp.exp(logits - m)
    probs = el / jnp.sum(el, axis=0, keepdims=True)

    srow = jax.lax.broadcasted_iota(jnp.int32, (e, bt), 0)
    cur = probs
    selected = jnp.zeros((e, bt), jnp.bool_)
    for kk in range(k):
        mk = jnp.max(cur, axis=0, keepdims=True)
        ik = jnp.min(jnp.where(cur == mk, srow, e), axis=0, keepdims=True)
        oh = srow == ik
        ibuf_ref[kk:kk + 1, :] = ik
        vbuf_ref[kk:kk + 1, :] = mk
        selected = selected | oh
        cur = jnp.where(oh, -jnp.inf, cur)

    h = selected.astype(jnp.float32)
    sv = jnp.sum(jnp.where(selected, probs, 0.0), axis=0, keepdims=True)
    elp = -probs * jnp.log(probs + 1e-10)

    stack = jnp.concatenate([h, probs, elp], axis=0)
    part = jax.lax.dot_general(stack, sel_ref[...], (((1,), (0,)), ((), ())),
                               preferred_element_type=jnp.float32)

    prev = acc_counts[...]
    mid = prev + part[0:e, 0:1]
    rr = jax.lax.broadcasted_iota(jnp.int32, (e, e), 0)
    cc = jax.lax.broadcasted_iota(jnp.int32, (e, e), 1)
    dg = rr == cc
    prow = jnp.sum(jnp.where(dg, jnp.broadcast_to(prev, (e, e)), 0.0),
                   axis=0, keepdims=True)
    mrow = jnp.sum(jnp.where(dg, jnp.broadcast_to(mid, (e, e)), 0.0),
                   axis=0, keepdims=True)
    choff_ref[...] = jnp.concatenate([prow, mrow], axis=1).astype(
        jnp.int32).reshape(1, 1, 2 * e)

    wscale = 1.0 / sv
    nf = bt // 128
    for kk in range(k):
        for j in range(nf):
            sl = slice(128 * j, 128 * j + 128)
            row = slice(nf * kk + j, nf * kk + j + 1)
            idx_ref[row, :] = ibuf_ref[kk:kk + 1, sl]
            wts_ref[row, :] = vbuf_ref[kk:kk + 1, sl] * wscale[0:1, sl]

    acc_counts[...] = acc_counts[...] + part[0:e, 1:2]
    acc_probs[...] = acc_probs[...] + part[e:2 * e, 1:2]
    acc_ent[...] = acc_ent[...] + jnp.sum(part[2 * e:3 * e, 1:2],
                                          keepdims=True)

    @pl.when(i == nsteps - 1)
    def _finalize():
        cnt = acc_counts[...]
        counts_ref[...] = cnt
        avgp_ref[...] = acc_probs[...] / nt
        ent_ref[...] = acc_ent[...] / nt
        ccol = jnp.broadcast_to(cnt, (e, e))
        rr = jax.lax.broadcasted_iota(jnp.int32, (e, e), 0)
        cc = jax.lax.broadcasted_iota(jnp.int32, (e, e), 1)
        crow = jnp.sum(jnp.where(rr == cc, ccol, 0.0), axis=0, keepdims=True)
        less = jnp.sum((crow < ccol).astype(jnp.float32), axis=1,
                       keepdims=True)
        eq = jnp.sum((crow == ccol).astype(jnp.float32), axis=1,
                     keepdims=True)
        num = jnp.sum(cnt * (2.0 * less + eq - e), keepdims=True)
        tot = jnp.sum(cnt, keepdims=True)
        gini_ref[...] = num / (e * tot + 1e-10)
        kept = jnp.minimum(cnt, float(cap))
        ctr_ref[...] = kept.astype(jnp.int32)
        drop_ref[...] = float(nt * k) - jnp.sum(kept, keepdims=True)


def _dispatch_kernel(idxt_ref, twt_ref, choff_ref,
                     idx_ref, mask_ref, wts_ref,
                     idxs_v, tws_v, bins_v, idxo_v, masko_v, wtso_v, sem,
                     *, e, k, nt, cap, chunk):
    nc = 2
    wid = lax.axis_index("s") * nc + lax.axis_index("c")
    base = wid * chunk
    bt = 2 * chunk
    iblk = wid // 2
    u0 = (wid % 2) * chunk
    copies = []
    for kk in range(k):
        src = iblk * k * bt + kk * bt + u0
        copies.append(pltpu.make_async_copy(
            idxt_ref.at[pl.ds(src, chunk)],
            idxs_v.at[pl.ds(kk * chunk, chunk)], sem))
        copies.append(pltpu.make_async_copy(
            twt_ref.at[pl.ds(src, chunk)],
            tws_v.at[pl.ds(kk * chunk, chunk)], sem))
    copies.append(pltpu.make_async_copy(
        choff_ref.at[pl.ds(iblk * 2 * e + (wid % 2) * e, e)], bins_v, sem))
    for c in copies:
        c.start()
    for c in copies:
        c.wait()

    l16 = lax.iota(jnp.int32, 16)
    kkvec = jnp.bitwise_and(l16, 7)
    thalf = lax.shift_right_logical(l16, 3)
    fbase = kkvec * chunk + thalf
    mlow = l16 < 8
    mhigh = jnp.logical_not(mlow)
    ones16 = jnp.full((16,), 1, jnp.int32)
    capv = jnp.full((16,), cap, jnp.int32)

    def body(t, carry):
        fvec = fbase + 2 * t
        evec = plsc.load_gather(idxs_v, [fvec])
        twv = plsc.load_gather(tws_v, [fvec])
        ca = plsc.load_gather(bins_v, [evec], mask=mlow)
        plsc.addupdate_scatter(bins_v, [evec], ones16, mask=mlow)
        cb = plsc.load_gather(bins_v, [evec], mask=mhigh)
        plsc.addupdate_scatter(bins_v, [evec], ones16, mask=mhigh)
        pos = jnp.where(mlow, ca, cb)
        keep = pos < capv
        sa = plsc.all_reduce_population_count(keep & mlow)
        st = plsc.all_reduce_population_count(keep)
        denom = jnp.where(mlow, sa, st - sa).astype(jnp.float32) + 1e-10
        mv = jnp.where(keep, 1.0, 0.0)
        wv = twv * mv / denom
        off = 16 * t
        idxo_v[pl.ds(off, 16)] = evec
        masko_v[pl.ds(off, 16)] = mv
        wtso_v[pl.ds(off, 16)] = wv
        return carry

    lax.fori_loop(0, chunk // 2, body, 0, unroll=8)

    out_copies = [
        pltpu.make_async_copy(idxo_v, idx_ref.at[pl.ds(base * k, chunk * k)],
                              sem),
        pltpu.make_async_copy(masko_v,
                              mask_ref.at[pl.ds(base * k, chunk * k)], sem),
        pltpu.make_async_copy(wtso_v,
                              wts_ref.at[pl.ds(base * k, chunk * k)], sem),
    ]
    for c in out_copies:
        c.start()
    for c in out_copies:
        c.wait()


@jax.jit
def kernel(x, W):
    nt, hidden = x.shape
    e = W.shape[0]
    k = _K
    bt = _BT
    chunk = _CHUNK
    cap = int(nt * k / e * _CAPF)
    grid = nt // bt
    nchunk = nt // chunk
    r = jax.lax.broadcasted_iota(jnp.int32, (bt, k), 0)
    c = jax.lax.broadcasted_iota(jnp.int32, (bt, k), 1)
    sel = jnp.where((c == 1) | ((c == 0) & (r < chunk)), 1.0, 0.0)
    gate = functools.partial(_gate_kernel, bt=bt, e=e, k=k, nt=nt, cap=cap)
    outs = pl.pallas_call(
        gate,
        grid=(grid,),
        in_specs=[
            pl.BlockSpec((bt, hidden), lambda i: (i, 0)),
            pl.BlockSpec((e, hidden), lambda i: (0, 0)),
            pl.BlockSpec((bt, k), lambda i: (0, 0)),
        ],
        out_specs=[
            pl.BlockSpec((k * bt // 128, 128), lambda i: (i, 0)),
            pl.BlockSpec((k * bt // 128, 128), lambda i: (i, 0)),
            pl.BlockSpec((1, 1, 2 * e), lambda i: (i, 0, 0)),
            pl.BlockSpec((e, 1), lambda i: (0, 0)),
            pl.BlockSpec((e, 1), lambda i: (0, 0)),
            pl.BlockSpec((1, 1), lambda i: (0, 0)),
            pl.BlockSpec((1, 1), lambda i: (0, 0)),
            pl.BlockSpec((e, 1), lambda i: (0, 0)),
            pl.BlockSpec((1, 1), lambda i: (0, 0)),
        ],
        out_shape=[
            jax.ShapeDtypeStruct((k * nt // 128, 128), jnp.int32),
            jax.ShapeDtypeStruct((k * nt // 128, 128), jnp.float32),
            jax.ShapeDtypeStruct((grid, 1, 2 * e), jnp.int32),
            jax.ShapeDtypeStruct((e, 1), jnp.float32),
            jax.ShapeDtypeStruct((e, 1), jnp.float32),
            jax.ShapeDtypeStruct((1, 1), jnp.float32),
            jax.ShapeDtypeStruct((1, 1), jnp.float32),
            jax.ShapeDtypeStruct((e, 1), jnp.int32),
            jax.ShapeDtypeStruct((1, 1), jnp.float32),
        ],
        scratch_shapes=[
            pltpu.VMEM((k, bt), jnp.int32),
            pltpu.VMEM((k, bt), jnp.float32),
            pltpu.VMEM((e, 1), jnp.float32),
            pltpu.VMEM((e, 1), jnp.float32),
            pltpu.VMEM((1, 1), jnp.float32),
        ],
    )(x, W, sel)
    idxt, twt, choff, counts, avgp, ent, gini, ctr, drop = outs

    mesh = plsc.VectorSubcoreMesh(core_axis_name="c", subcore_axis_name="s",
                                  num_cores=2, num_subcores=16)
    dispatch = pl.kernel(
        functools.partial(_dispatch_kernel, e=e, k=k, nt=nt, cap=cap,
                          chunk=chunk),
        mesh=mesh,
        compiler_params=pltpu.CompilerParams(needs_layout_passes=False),
        out_type=[
            jax.ShapeDtypeStruct((nt * k,), jnp.int32),
            jax.ShapeDtypeStruct((nt * k,), jnp.float32),
            jax.ShapeDtypeStruct((nt * k,), jnp.float32),
        ],
        scratch_types=[
            pltpu.VMEM((k * chunk,), jnp.int32),
            pltpu.VMEM((k * chunk,), jnp.float32),
            pltpu.VMEM((e,), jnp.int32),
            pltpu.VMEM((chunk * k,), jnp.int32),
            pltpu.VMEM((chunk * k,), jnp.float32),
            pltpu.VMEM((chunk * k,), jnp.float32),
            pltpu.SemaphoreType.DMA,
        ],
    )
    tidx_f, mask_f, wts_f = dispatch(idxt.reshape(-1), twt.reshape(-1),
                                     choff.reshape(-1))
    return (tidx_f.reshape(nt, k), wts_f.reshape(nt, k),
            mask_f.reshape(nt, k),
            counts.reshape(e), avgp.reshape(e),
            ent.reshape(()), gini.reshape(()),
            ctr.reshape(e), drop.reshape(()))

# --- scband reference (transcript-rebuilt; emitter-appended) ---
"""Pipeline reference for scband-capacity-router-86406152061622 (READ-ONLY COPY).

The authoritative reference and input builder live on the scoring server;
editing this copy changes nothing except your own understanding.
"""

import jax, jax.numpy as jnp
import numpy as np

NT = 8192
HIDDEN = 4096
E = 64
K = 8
CAP_FACTOR = 1.25
TEMP = 1.0


def setup_inputs(seed: int = 0) -> dict:
    key = jax.random.key(seed)
    k1, k2 = jax.random.split(key)
    x = jax.random.normal(k1, (NT, HIDDEN), dtype=jnp.float32)
    W = jax.random.normal(k2, (E, HIDDEN), dtype=jnp.float32) * 0.02
    return {"x": x, "W": W}


def reference(x, W):
    # gate: nn.Linear(hidden_dim, num_experts, bias=False)
    logits = (x @ W.T) / TEMP
    probs = jax.nn.softmax(logits, axis=-1)
    top_k_probs, top_k_indices = jax.lax.top_k(probs, K)
    top_k_weights = top_k_probs / jnp.sum(top_k_probs, axis=-1, keepdims=True)

    num_tokens = x.shape[0]
    # stats (faithful to _compute_stats)
    expert_counts = jnp.sum(jax.nn.one_hot(top_k_indices, E, dtype=jnp.float32), axis=(0, 1))
    avg_probs = probs.mean(axis=0)
    entropy = -jnp.sum(probs * jnp.log(probs + 1e-10), axis=-1).mean()
    sorted_counts = jnp.sort(expert_counts)
    index = jnp.arange(1, E + 1, dtype=jnp.float32)
    gini = jnp.sum((2 * index - E - 1) * sorted_counts) / (E * jnp.sum(sorted_counts) + 1e-10)

    # capacity masking: first-come-first-served in flattened (token, k) order,
    # identical to the torch double loop.
    capacity = int(num_tokens * K / E * CAP_FACTOR)
    flat = top_k_indices.reshape(-1)
    oh = jax.nn.one_hot(flat, E, dtype=jnp.int32)
    pos = jnp.cumsum(oh, axis=0) - oh  # number of prior assignments to same expert
    pos_in_expert = jnp.take_along_axis(pos, flat[:, None], axis=1)[:, 0]
    keep = pos_in_expert < capacity
    capacity_mask = keep.reshape(num_tokens, K).astype(jnp.float32)
    expert_counters = jnp.sum(oh * keep[:, None].astype(jnp.int32), axis=0)
    num_dropped = jnp.sum(1.0 - capacity_mask)

    mask_sum = capacity_mask.sum(axis=-1, keepdims=True)
    top_k_weights = top_k_weights * capacity_mask
    top_k_weights = top_k_weights / (mask_sum + 1e-10)

    return (top_k_indices, top_k_weights, capacity_mask,
            expert_counts, avg_probs, entropy, gini,
            expert_counters, num_dropped)

if __name__ == "__main__":
    import jax
    _d = setup_inputs()
    print(jax.jit(kernel)(*tuple(_d.values())))

</pallas_src>

<mosaic_0001>
#map = affine_map<(d0, d1) -> (0)>
module attributes {stable_mosaic.version = 14 : i64} {
  func.func @_dispatch_kernel(%arg0: i32, %arg1: i32, %arg2: memref<65536xi32, #tpu.memory_space<hbm>>, %arg3: memref<65536xf32, #tpu.memory_space<hbm>>, %arg4: memref<2048xi32, #tpu.memory_space<hbm>>, %arg5: memref<65536xi32, #tpu.memory_space<hbm>>, %arg6: memref<65536xf32, #tpu.memory_space<hbm>>, %arg7: memref<65536xf32, #tpu.memory_space<hbm>>, %arg8: memref<2048xi32, #tpu.memory_space<vmem>>, %arg9: memref<2048xf32, #tpu.memory_space<vmem>>, %arg10: memref<64xi32, #tpu.memory_space<vmem>>, %arg11: memref<2048xi32, #tpu.memory_space<vmem>>, %arg12: memref<2048xf32, #tpu.memory_space<vmem>>, %arg13: memref<2048xf32, #tpu.memory_space<vmem>>, %arg14: memref<!tpu.dma_semaphore, #tpu.memory_space<semaphore_mem>>) attributes {dimension_semantics = [#tpu.dimension_semantics<core_parallel>, #tpu.dimension_semantics<subcore_parallel>], iteration_bounds = array<i64: 2, 16>, scalar_prefetch = 0 : i64, scratch_operands = 7 : i64, tpu.core_type = #tpu.core_type<sc_vector_subcore>, window_params = [{transform_indices = #map}, {transform_indices = #map}, {transform_indices = #map}, {transform_indices = #map}, {transform_indices = #map}, {transform_indices = #map}]} {
    %mul3A = arith.constant 2 : i32
    %mul3A_0 = arith.muli %arg1, %mul3A : i32
    %add3A = arith.addi %mul3A_0, %arg0 : i32
    %mul3A_1 = arith.constant 256 : i32
    %mul3A_2 = arith.muli %add3A, %mul3A_1 : i32
    %jit3A = arith.constant 2 : i32
    %div3A = arith.divsi %add3A, %jit3A : i32
    %sign3A = arith.constant 0 : i32
    %sign3A_3 = arith.cmpi sgt, %add3A, %sign3A : i32
    %sign3A_4 = arith.extui %sign3A_3 : i1 to i32
    %sign3A_5 = arith.constant 0 : i32
    %sign3A_6 = arith.cmpi slt, %add3A, %sign3A_5 : i32
    %sign3A_7 = arith.extui %sign3A_6 : i1 to i32
    %sign3A_8 = arith.subi %sign3A_4, %sign3A_7 : i32
    %sign3A_9 = arith.constant 0 : i32
    %sign3A_10 = arith.cmpi sgt, %jit3A, %sign3A_9 : i32
    %sign3A_11 = arith.extui %sign3A_10 : i1 to i32
    %sign3A_12 = arith.constant 0 : i32
    %sign3A_13 = arith.cmpi slt, %jit3A, %sign3A_12 : i32
    %sign3A_14 = arith.extui %sign3A_13 : i1 to i32
    %sign3A_15 = arith.subi %sign3A_11, %sign3A_14 : i32
    %ne3A = arith.cmpi ne, %sign3A_8, %sign3A_15 : i32
    %rem3A = arith.remsi %add3A, %jit3A : i32
    %ne3A_16 = arith.constant 0 : i32
    %ne3A_17 = arith.cmpi ne, %rem3A, %ne3A_16 : i32
    %and3A = arith.andi %ne3A, %ne3A_17 : i1
    %sub3A = arith.constant 1 : i32
    %sub3A_18 = arith.subi %div3A, %sub3A : i32
    %select_n3A = arith.select %and3A, %sub3A_18, %div3A : i32
    %jit3A_19 = arith.constant 2 : i32
    %eq3A = arith.constant 0 : i32
    %eq3A_20 = arith.cmpi eq, %jit3A_19, %eq3A : i32
    %jit3A_21 = arith.constant 1 : i32
    %select_n3A_22 = arith.select %eq3A_20, %jit3A_21, %jit3A_19 : i32
    %rem3A_23 = arith.remsi %add3A, %select_n3A_22 : i32
    %ne3A_24 = arith.constant 0 : i32
    %ne3A_25 = arith.cmpi ne, %rem3A_23, %ne3A_24 : i32
    %lt3A = arith.constant 0 : i32
    %lt3A_26 = arith.cmpi slt, %rem3A_23, %lt3A : i32
    %lt3A_27 = arith.constant 0 : i32
    %lt3A_28 = arith.cmpi slt, %select_n3A_22, %lt3A_27 : i32
    %ne3A_29 = arith.xori %lt3A_26, %lt3A_28 : i1
    %and3A_30 = arith.andi %ne3A_29, %ne3A_25 : i1
    %add3A_31 = arith.addi %rem3A_23, %select_n3A_22 : i32
    %select_n3A_32 = arith.select %and3A_30, %add3A_31, %rem3A_23 : i32
    %mul3A_33 = arith.constant 256 : i32
    %mul3A_34 = arith.muli %select_n3A_32, %mul3A_33 : i32
    %mul3A_35 = arith.constant 8 : i32
    %mul3A_36 = arith.muli %select_n3A, %mul3A_35 : i32
    %mul3A_37 = arith.constant 512 : i32
    %mul3A_38 = arith.muli %mul3A_36, %mul3A_37 : i32
    %add3A_39 = arith.constant 0 : i32
    %add3A_40 = arith.addi %mul3A_38, %add3A_39 : i32
    %add3A_41 = arith.addi %add3A_40, %mul3A_34 : i32
    %mul3A_42 = arith.constant 8 : i32
    %mul3A_43 = arith.muli %select_n3A, %mul3A_42 : i32
    %mul3A_44 = arith.constant 512 : i32
    %mul3A_45 = arith.muli %mul3A_43, %mul3A_44 : i32
    %add3A_46 = arith.constant 512 : i32
    %add3A_47 = arith.addi %mul3A_45, %add3A_46 : i32
    %add3A_48 = arith.addi %add3A_47, %mul3A_34 : i32
    %mul3A_49 = arith.constant 8 : i32
    %mul3A_50 = arith.muli %select_n3A, %mul3A_49 : i32
    %mul3A_51 = arith.constant 512 : i32
    %mul3A_52 = arith.muli %mul3A_50, %mul3A_51 : i32
    %add3A_53 = arith.constant 1024 : i32
    %add3A_54 = arith.addi %mul3A_52, %add3A_53 : i32
    %add3A_55 = arith.addi %add3A_54, %mul3A_34 : i32
    %mul3A_56 = arith.constant 8 : i32
    %mul3A_57 = arith.muli %select_n3A, %mul3A_56 : i32
    %mul3A_58 = arith.constant 512 : i32
    %mul3A_59 = arith.muli %mul3A_57, %mul3A_58 : i32
    %add3A_60 = arith.constant 1536 : i32
    %add3A_61 = arith.addi %mul3A_59, %add3A_60 : i32
    %add3A_62 = arith.addi %add3A_61, %mul3A_34 : i32
    %mul3A_63 = arith.constant 8 : i32
    %mul3A_64 = arith.muli %select_n3A, %mul3A_63 : i32
    %mul3A_65 = arith.constant 512 : i32
    %mul3A_66 = arith.muli %mul3A_64, %mul3A_65 : i32
    %add3A_67 = arith.constant 2048 : i32
    %add3A_68 = arith.addi %mul3A_66, %add3A_67 : i32
    %add3A_69 = arith.addi %add3A_68, %mul3A_34 : i32
    %mul3A_70 = arith.constant 8 : i32
    %mul3A_71 = arith.muli %select_n3A, %mul3A_70 : i32
    %mul3A_72 = arith.constant 512 : i32
    %mul3A_73 = arith.muli %mul3A_71, %mul3A_72 : i32
    %add3A_74 = arith.constant 2560 : i32
    %add3A_75 = arith.addi %mul3A_73, %add3A_74 : i32
    %add3A_76 = arith.addi %add3A_75, %mul3A_34 : i32
    %mul3A_77 = arith.constant 8 : i32
    %mul3A_78 = arith.muli %select_n3A, %mul3A_77 : i32
    %mul3A_79 = arith.constant 512 : i32
    %mul3A_80 = arith.muli %mul3A_78, %mul3A_79 : i32
    %add3A_81 = arith.constant 3072 : i32
    %add3A_82 = arith.addi %mul3A_80, %add3A_81 : i32
    %add3A_83 = arith.addi %add3A_82, %mul3A_34 : i32
    %mul3A_84 = arith.constant 8 : i32
    %mul3A_85 = arith.muli %select_n3A, %mul3A_84 : i32
    %mul3A_86 = arith.constant 512 : i32
    %mul3A_87 = arith.muli %mul3A_85, %mul3A_86 : i32
    %add3A_88 = arith.constant 3584 : i32
    %add3A_89 = arith.addi %mul3A_87, %add3A_88 : i32
    %add3A_90 = arith.addi %add3A_89, %mul3A_34 : i32
    %mul3A_91 = arith.constant 2 : i32
    %mul3A_92 = arith.muli %select_n3A, %mul3A_91 : i32
    %mul3A_93 = arith.constant 64 : i32
    %mul3A_94 = arith.muli %mul3A_92, %mul3A_93 : i32
    %jit3A_95 = arith.constant 2 : i32
    %eq3A_96 = arith.constant 0 : i32
    %eq3A_97 = arith.cmpi eq, %jit3A_95, %eq3A_96 : i32
    %jit3A_98 = arith.constant 1 : i32
    %select_n3A_99 = arith.select %eq3A_97, %jit3A_98, %jit3A_95 : i32
    %rem3A_100 = arith.remsi %add3A, %select_n3A_99 : i32
    %ne3A_101 = arith.constant 0 : i32
    %ne3A_102 = arith.cmpi ne, %rem3A_100, %ne3A_101 : i32
    %lt3A_103 = arith.constant 0 : i32
    %lt3A_104 = arith.cmpi slt, %rem3A_100, %lt3A_103 : i32
    %lt3A_105 = arith.constant 0 : i32
    %lt3A_106 = arith.cmpi slt, %select_n3A_99, %lt3A_105 : i32
    %ne3A_107 = arith.xori %lt3A_104, %lt3A_106 : i1
    %and3A_108 = arith.andi %ne3A_107, %ne3A_102 : i1
    %add3A_109 = arith.addi %rem3A_100, %select_n3A_99 : i32
    %select_n3A_110 = arith.select %and3A_108, %add3A_109, %rem3A_100 : i32
    %mul3A_111 = arith.constant 64 : i32
    %mul3A_112 = arith.muli %select_n3A_110, %mul3A_111 : i32
    %add3A_113 = arith.addi %mul3A_94, %mul3A_112 : i32
    %dma_start3A = arith.constant 0 : i32
    %dma_start3A_114 = tpu.memref_slice %arg8[%dma_start3A] : memref<2048xi32, #tpu.memory_space<vmem>> -> memref<256xi32, #tpu.memory_space<vmem>>
    %dma_start3A_115 = tpu.memref_slice %arg2[%add3A_41] : memref<65536xi32, #tpu.memory_space<hbm>> -> memref<256xi32, #tpu.memory_space<hbm>>
    %dma_start3A_116 = arith.constant 0 : i32
    %dma_start3A_117 = tpu.memref_slice %arg8[%dma_start3A_116] : memref<2048xi32, #tpu.memory_space<vmem>> -> memref<256xi32, #tpu.memory_space<vmem>>
    %dma_start3A_118 = tpu.memref_slice %arg2[%add3A_41] : memref<65536xi32, #tpu.memory_space<hbm>> -> memref<256xi32, #tpu.memory_space<hbm>>
    tpu.enqueue_dma source(%dma_start3A_118 : memref<256xi32, #tpu.memory_space<hbm>>) target(%dma_start3A_117 : memref<256xi32, #tpu.memory_space<vmem>>) target_semaphore(%arg14 : memref<!tpu.dma_semaphore, #tpu.memory_space<semaphore_mem>>)
    %dma_start3A_119 = arith.constant 0 : i32
    %dma_start3A_120 = tpu.memref_slice %arg9[%dma_start3A_119] : memref<2048xf32, #tpu.memory_space<vmem>> -> memref<256xf32, #tpu.memory_space<vmem>>
    %dma_start3A_121 = tpu.memref_slice %arg3[%add3A_41] : memref<65536xf32, #tpu.memory_space<hbm>> -> memref<256xf32, #tpu.memory_space<hbm>>
    %dma_start3A_122 = arith.constant 0 : i32
    %dma_start3A_123 = tpu.memref_slice %arg9[%dma_start3A_122] : memref<2048xf32, #tpu.memory_space<vmem>> -> memref<256xf32, #tpu.memory_space<vmem>>
    %dma_start3A_124 = tpu.memref_slice %arg3[%add3A_41] : memref<65536xf32, #tpu.memory_space<hbm>> -> memref<256xf32, #tpu.memory_space<hbm>>
    tpu.enqueue_dma source(%dma_start3A_124 : memref<256xf32, #tpu.memory_space<hbm>>) target(%dma_start3A_123 : memref<256xf32, #tpu.memory_space<vmem>>) target_semaphore(%arg14 : memref<!tpu.dma_semaphore, #tpu.memory_space<semaphore_mem>>)
    %dma_start3A_125 = arith.constant 256 : i32
    %dma_start3A_126 = tpu.memref_slice %arg8[%dma_start3A_125] : memref<2048xi32, #tpu.memory_space<vmem>> -> memref<256xi32, #tpu.memory_space<vmem>>
    %dma_start3A_127 = tpu.memref_slice %arg2[%add3A_48] : memref<65536xi32, #tpu.memory_space<hbm>> -> memref<256xi32, #tpu.memory_space<hbm>>
    %dma_start3A_128 = arith.constant 256 : i32
    %dma_start3A_129 = tpu.memref_slice %arg8[%dma_start3A_128] : memref<2048xi32, #tpu.memory_space<vmem>> -> memref<256xi32, #tpu.memory_space<vmem>>
    %dma_start3A_130 = tpu.memref_slice %arg2[%add3A_48] : memref<65536xi32, #tpu.memory_space<hbm>> -> memref<256xi32, #tpu.memory_space<hbm>>
    tpu.enqueue_dma source(%dma_start3A_130 : memref<256xi32, #tpu.memory_space<hbm>>) target(%dma_start3A_129 : memref<256xi32, #tpu.memory_space<vmem>>) target_semaphore(%arg14 : memref<!tpu.dma_semaphore, #tpu.memory_space<semaphore_mem>>)
    %dma_start3A_131 = arith.constant 256 : i32
    %dma_start3A_132 = tpu.memref_slice %arg9[%dma_start3A_131] : memref<2048xf32, #tpu.memory_space<vmem>> -> memref<256xf32, #tpu.memory_space<vmem>>
    %dma_start3A_133 = tpu.memref_slice %arg3[%add3A_48] : memref<65536xf32, #tpu.memory_space<hbm>> -> memref<256xf32, #tpu.memory_space<hbm>>
    %dma_start3A_134 = arith.constant 256 : i32
    %dma_start3A_135 = tpu.memref_slice %arg9[%dma_start3A_134] : memref<2048xf32, #tpu.memory_space<vmem>> -> memref<256xf32, #tpu.memory_space<vmem>>
    %dma_start3A_136 = tpu.memref_slice %arg3[%add3A_48] : memref<65536xf32, #tpu.memory_space<hbm>> -> memref<256xf32, #tpu.memory_space<hbm>>
    tpu.enqueue_dma source(%dma_start3A_136 : memref<256xf32, #tpu.memory_space<hbm>>) target(%dma_start3A_135 : memref<256xf32, #tpu.memory_space<vmem>>) target_semaphore(%arg14 : memref<!tpu.dma_semaphore, #tpu.memory_space<semaphore_mem>>)
    %dma_start3A_137 = arith.constant 512 : i32
    %dma_start3A_138 = tpu.memref_slice %arg8[%dma_start3A_137] : memref<2048xi32, #tpu.memory_space<vmem>> -> memref<256xi32, #tpu.memory_space<vmem>>
    %dma_start3A_139 = tpu.memref_slice %arg2[%add3A_55] : memref<65536xi32, #tpu.memory_space<hbm>> -> memref<256xi32, #tpu.memory_space<hbm>>
    %dma_start3A_140 = arith.constant 512 : i32
    %dma_start3A_141 = tpu.memref_slice %arg8[%dma_start3A_140] : memref<2048xi32, #tpu.memory_space<vmem>> -> memref<256xi32, #tpu.memory_space<vmem>>
    %dma_start3A_142 = tpu.memref_slice %arg2[%add3A_55] : memref<65536xi32, #tpu.memory_space<hbm>> -> memref<256xi32, #tpu.memory_space<hbm>>
    tpu.enqueue_dma source(%dma_start3A_142 : memref<256xi32, #tpu.memory_space<hbm>>) target(%dma_start3A_141 : memref<256xi32, #tpu.memory_space<vmem>>) target_semaphore(%arg14 : memref<!tpu.dma_semaphore, #tpu.memory_space<semaphore_mem>>)
    %dma_start3A_143 = arith.constant 512 : i32
    %dma_start3A_144 = tpu.memref_slice %arg9[%dma_start3A_143] : memref<2048xf32, #tpu.memory_space<vmem>> -> memref<256xf32, #tpu.memory_space<vmem>>
    %dma_start3A_145 = tpu.memref_slice %arg3[%add3A_55] : memref<65536xf32, #tpu.memory_space<hbm>> -> memref<256xf32, #tpu.memory_space<hbm>>
    %dma_start3A_146 = arith.constant 512 : i32
    %dma_start3A_147 = tpu.memref_slice %arg9[%dma_start3A_146] : memref<2048xf32, #tpu.memory_space<vmem>> -> memref<256xf32, #tpu.memory_space<vmem>>
    %dma_start3A_148 = tpu.memref_slice %arg3[%add3A_55] : memref<65536xf32, #tpu.memory_space<hbm>> -> memref<256xf32, #tpu.memory_space<hbm>>
    tpu.enqueue_dma source(%dma_start3A_148 : memref<256xf32, #tpu.memory_space<hbm>>) target(%dma_start3A_147 : memref<256xf32, #tpu.memory_space<vmem>>) target_semaphore(%arg14 : memref<!tpu.dma_semaphore, #tpu.memory_space<semaphore_mem>>)
    %dma_start3A_149 = arith.constant 768 : i32
    %dma_start3A_150 = tpu.memref_slice %arg8[%dma_start3A_149] : memref<2048xi32, #tpu.memory_space<vmem>> -> memref<256xi32, #tpu.memory_space<vmem>>
    %dma_start3A_151 = tpu.memref_slice %arg2[%add3A_62] : memref<65536xi32, #tpu.memory_space<hbm>> -> memref<256xi32, #tpu.memory_space<hbm>>
    %dma_start3A_152 = arith.constant 768 : i32
    %dma_start3A_153 = tpu.memref_slice %arg8[%dma_start3A_152] : memref<2048xi32, #tpu.memory_space<vmem>> -> memref<256xi32, #tpu.memory_space<vmem>>
    %dma_start3A_154 = tpu.memref_slice %arg2[%add3A_62] : memref<65536xi32, #tpu.memory_space<hbm>> -> memref<256xi32, #tpu.memory_space<hbm>>
    tpu.enqueue_dma source(%dma_start3A_154 : memref<256xi32, #tpu.memory_space<hbm>>) target(%dma_start3A_153 : memref<256xi32, #tpu.memory_space<vmem>>) target_semaphore(%arg14 : memref<!tpu.dma_semaphore, #tpu.memory_space<semaphore_mem>>)
    %dma_start3A_155 = arith.constant 768 : i32
    %dma_start3A_156 = tpu.memref_slice %arg9[%dma_start3A_155] : memref<2048xf32, #tpu.memory_space<vmem>> -> memref<256xf32, #tpu.memory_space<vmem>>
    %dma_start3A_157 = tpu.memref_slice %arg3[%add3A_62] : memref<65536xf32, #tpu.memory_space<hbm>> -> memref<256xf32, #tpu.memory_space<hbm>>
    %dma_start3A_158 = arith.constant 768 : i32
    %dma_start3A_159 = tpu.memref_slice %arg9[%dma_start3A_158] : memref<2048xf32, #tpu.memory_space<vmem>> -> memref<256xf32, #tpu.memory_space<vmem>>
    %dma_start3A_160 = tpu.memref_slice %arg3[%add3A_62] : memref<65536xf32, #tpu.memory_space<hbm>> -> memref<256xf32, #tpu.memory_space<hbm>>
    tpu.enqueue_dma source(%dma_start3A_160 : memref<256xf32, #tpu.memory_space<hbm>>) target(%dma_start3A_159 : memref<256xf32, #tpu.memory_space<vmem>>) target_semaphore(%arg14 : memref<!tpu.dma_semaphore, #tpu.memory_space<semaphore_mem>>)
    %dma_start3A_161 = arith.constant 1024 : i32
    %dma_start3A_162 = tpu.memref_slice %arg8[%dma_start3A_161] : memref<2048xi32, #tpu.memory_space<vmem>> -> memref<256xi32, #tpu.memory_space<vmem>>
    %dma_start3A_163 = tpu.memref_slice %arg2[%add3A_69] : memref<65536xi32, #tpu.memory_space<hbm>> -> memref<256xi32, #tpu.memory_space<hbm>>
    %dma_start3A_164 = arith.constant 1024 : i32
    %dma_start3A_165 = tpu.memref_slice %arg8[%dma_start3A_164] : memref<2048xi32, #tpu.memory_space<vmem>> -> memref<256xi32, #tpu.memory_space<vmem>>
    %dma_start3A_166 = tpu.memref_slice %arg2[%add3A_69] : memref<65536xi32, #tpu.memory_space<hbm>> -> memref<256xi32, #tpu.memory_space<hbm>>
    tpu.enqueue_dma source(%dma_start3A_166 : memref<256xi32, #tpu.memory_space<hbm>>) target(%dma_start3A_165 : memref<256xi32, #tpu.memory_space<vmem>>) target_semaphore(%arg14 : memref<!tpu.dma_semaphore, #tpu.memory_space<semaphore_mem>>)
    %dma_start3A_167 = arith.constant 1024 : i32
    %dma_start3A_168 = tpu.memref_slice %arg9[%dma_start3A_167] : memref<2048xf32, #tpu.memory_space<vmem>> -> memref<256xf32, #tpu.memory_space<vmem>>
    %dma_start3A_169 = tpu.memref_slice %arg3[%add3A_69] : memref<65536xf32, #tpu.memory_space<hbm>> -> memref<256xf32, #tpu.memory_space<hbm>>
    %dma_start3A_170 = arith.constant 1024 : i32
    %dma_start3A_171 = tpu.memref_slice %arg9[%dma_start3A_170] : memref<2048xf32, #tpu.memory_space<vmem>> -> memref<256xf32, #tpu.memory_space<vmem>>
    %dma_start3A_172 = tpu.memref_slice %arg3[%add3A_69] : memref<65536xf32, #tpu.memory_space<hbm>> -> memref<256xf32, #tpu.memory_space<hbm>>
    tpu.enqueue_dma source(%dma_start3A_172 : memref<256xf32, #tpu.memory_space<hbm>>) target(%dma_start3A_171 : memref<256xf32, #tpu.memory_space<vmem>>) target_semaphore(%arg14 : memref<!tpu.dma_semaphore, #tpu.memory_space<semaphore_mem>>)
    %dma_start3A_173 = arith.constant 1280 : i32
    %dma_start3A_174 = tpu.memref_slice %arg8[%dma_start3A_173] : memref<2048xi32, #tpu.memory_space<vmem>> -> memref<256xi32, #tpu.memory_space<vmem>>
    %dma_start3A_175 = tpu.memref_slice %arg2[%add3A_76] : memref<65536xi32, #tpu.memory_space<hbm>> -> memref<256xi32, #tpu.memory_space<hbm>>
    %dma_start3A_176 = arith.constant 1280 : i32
    %dma_start3A_177 = tpu.memref_slice %arg8[%dma_start3A_176] : memref<2048xi32, #tpu.memory_space<vmem>> -> memref<256xi32, #tpu.memory_space<vmem>>
    %dma_start3A_178 = tpu.memref_slice %arg2[%add3A_76] : memref<65536xi32, #tpu.memory_space<hbm>> -> memref<256xi32, #tpu.memory_space<hbm>>
    tpu.enqueue_dma source(%dma_start3A_178 : memref<256xi32, #tpu.memory_space<hbm>>) target(%dma_start3A_177 : memref<256xi32, #tpu.memory_space<vmem>>) target_semaphore(%arg14 : memref<!tpu.dma_semaphore, #tpu.memory_space<semaphore_mem>>)
    %dma_start3A_179 = arith.constant 1280 : i32
    %dma_start3A_180 = tpu.memref_slice %arg9[%dma_start3A_179] : memref<2048xf32, #tpu.memory_space<vmem>> -> memref<256xf32, #tpu.memory_space<vmem>>
    %dma_start3A_181 = tpu.memref_slice %arg3[%add3A_76] : memref<65536xf32, #tpu.memory_space<hbm>> -> memref<256xf32, #tpu.memory_space<hbm>>
    %dma_start3A_182 = arith.constant 1280 : i32
    %dma_start3A_183 = tpu.memref_slice %arg9[%dma_start3A_182] : memref<2048xf32, #tpu.memory_space<vmem>> -> memref<256xf32, #tpu.memory_space<vmem>>
    %dma_start3A_184 = tpu.memref_slice %arg3[%add3A_76] : memref<65536xf32, #tpu.memory_space<hbm>> -> memref<256xf32, #tpu.memory_space<hbm>>
    tpu.enqueue_dma source(%dma_start3A_184 : memref<256xf32, #tpu.memory_space<hbm>>) target(%dma_start3A_183 : memref<256xf32, #tpu.memory_space<vmem>>) target_semaphore(%arg14 : memref<!tpu.dma_semaphore, #tpu.memory_space<semaphore_mem>>)
    %dma_start3A_185 = arith.constant 1536 : i32
    %dma_start3A_186 = tpu.memref_slice %arg8[%dma_start3A_185] : memref<2048xi32, #tpu.memory_space<vmem>> -> memref<256xi32, #tpu.memory_space<vmem>>
    %dma_start3A_187 = tpu.memref_slice %arg2[%add3A_83] : memref<65536xi32, #tpu.memory_space<hbm>> -> memref<256xi32, #tpu.memory_space<hbm>>
    %dma_start3A_188 = arith.constant 1536 : i32
    %dma_start3A_189 = tpu.memref_slice %arg8[%dma_start3A_188] : memref<2048xi32, #tpu.memory_space<vmem>> -> memref<256xi32, #tpu.memory_space<vmem>>
    %dma_start3A_190 = tpu.memref_slice %arg2[%add3A_83] : memref<65536xi32, #tpu.memory_space<hbm>> -> memref<256xi32, #tpu.memory_space<hbm>>
    tpu.enqueue_dma source(%dma_start3A_190 : memref<256xi32, #tpu.memory_space<hbm>>) target(%dma_start3A_189 : memref<256xi32, #tpu.memory_space<vmem>>) target_semaphore(%arg14 : memref<!tpu.dma_semaphore, #tpu.memory_space<semaphore_mem>>)
    %dma_start3A_191 = arith.constant 1536 : i32
    %dma_start3A_192 = tpu.memref_slice %arg9[%dma_start3A_191] : memref<2048xf32, #tpu.memory_space<vmem>> -> memref<256xf32, #tpu.memory_space<vmem>>
    %dma_start3A_193 = tpu.memref_slice %arg3[%add3A_83] : memref<65536xf32, #tpu.memory_space<hbm>> -> memref<256xf32, #tpu.memory_space<hbm>>
    %dma_start3A_194 = arith.constant 1536 : i32
    %dma_start3A_195 = tpu.memref_slice %arg9[%dma_start3A_194] : memref<2048xf32, #tpu.memory_space<vmem>> -> memref<256xf32, #tpu.memory_space<vmem>>
    %dma_start3A_196 = tpu.memref_slice %arg3[%add3A_83] : memref<65536xf32, #tpu.memory_space<hbm>> -> memref<256xf32, #tpu.memory_space<hbm>>
    tpu.enqueue_dma source(%dma_start3A_196 : memref<256xf32, #tpu.memory_space<hbm>>) target(%dma_start3A_195 : memref<256xf32, #tpu.memory_space<vmem>>) target_semaphore(%arg14 : memref<!tpu.dma_semaphore, #tpu.memory_space<semaphore_mem>>)
    %dma_start3A_197 = arith.constant 1792 : i32
    %dma_start3A_198 = tpu.memref_slice %arg8[%dma_start3A_197] : memref<2048xi32, #tpu.memory_space<vmem>> -> memref<256xi32, #tpu.memory_space<vmem>>
    %dma_start3A_199 = tpu.memref_slice %arg2[%add3A_90] : memref<65536xi32, #tpu.memory_space<hbm>> -> memref<256xi32, #tpu.memory_space<hbm>>
    %dma_start3A_200 = arith.constant 1792 : i32
    %dma_start3A_201 = tpu.memref_slice %arg8[%dma_start3A_200] : memref<2048xi32, #tpu.memory_space<vmem>> -> memref<256xi32, #tpu.memory_space<vmem>>
    %dma_start3A_202 = tpu.memref_slice %arg2[%add3A_90] : memref<65536xi32, #tpu.memory_space<hbm>> -> memref<256xi32, #tpu.memory_space<hbm>>
    tpu.enqueue_dma source(%dma_start3A_202 : memref<256xi32, #tpu.memory_space<hbm>>) target(%dma_start3A_201 : memref<256xi32, #tpu.memory_space<vmem>>) target_semaphore(%arg14 : memref<!tpu.dma_semaphore, #tpu.memory_space<semaphore_mem>>)
    %dma_start3A_203 = arith.constant 1792 : i32
    %dma_start3A_204 = tpu.memref_slice %arg9[%dma_start3A_203] : memref<2048xf32, #tpu.memory_space<vmem>> -> memref<256xf32, #tpu.memory_space<vmem>>
    %dma_start3A_205 = tpu.memref_slice %arg3[%add3A_90] : memref<65536xf32, #tpu.memory_space<hbm>> -> memref<256xf32, #tpu.memory_space<hbm>>
    %dma_start3A_206 = arith.constant 1792 : i32
    %dma_start3A_207 = tpu.memref_slice %arg9[%dma_start3A_206] : memref<2048xf32, #tpu.memory_space<vmem>> -> memref<256xf32, #tpu.memory_space<vmem>>
    %dma_start3A_208 = tpu.memref_slice %arg3[%add3A_90] : memref<65536xf32, #tpu.memory_space<hbm>> -> memref<256xf32, #tpu.memory_space<hbm>>
    tpu.enqueue_dma source(%dma_start3A_208 : memref<256xf32, #tpu.memory_space<hbm>>) target(%dma_start3A_207 : memref<256xf32, #tpu.memory_space<vmem>>) target_semaphore(%arg14 : memref<!tpu.dma_semaphore, #tpu.memory_space<semaphore_mem>>)
    %dma_start3A_209 = tpu.memref_slice %arg4[%add3A_113] : memref<2048xi32, #tpu.memory_space<hbm>> -> memref<64xi32, #tpu.memory_space<hbm>>
    %dma_start3A_210 = tpu.memref_slice %arg4[%add3A_113] : memref<2048xi32, #tpu.memory_space<hbm>> -> memref<64xi32, #tpu.memory_space<hbm>>
    tpu.enqueue_dma source(%dma_start3A_210 : memref<64xi32, #tpu.memory_space<hbm>>) target(%arg10 : memref<64xi32, #tpu.memory_space<vmem>>) target_semaphore(%arg14 : memref<!tpu.dma_semaphore, #tpu.memory_space<semaphore_mem>>)
    %dma_wait3A = arith.constant 0 : i32
    %dma_wait3A_211 = tpu.memref_slice %arg8[%dma_wait3A] : memref<2048xi32, #tpu.memory_space<vmem>> -> memref<256xi32, #tpu.memory_space<vmem>>
    %dma_wait3A_212 = tpu.memref_slice %arg2[%add3A_41] : memref<65536xi32, #tpu.memory_space<hbm>> -> memref<256xi32, #tpu.memory_space<hbm>>
    %dma_wait3A_213 = arith.constant 0 : i32
    %dma_wait3A_214 = tpu.memref_slice %arg8[%dma_wait3A_213] : memref<2048xi32, #tpu.memory_space<vmem>> -> memref<256xi32, #tpu.memory_space<vmem>>
    %dma_wait3A_215 = tpu.memref_slice %arg2[%add3A_41] : memref<65536xi32, #tpu.memory_space<hbm>> -> memref<256xi32, #tpu.memory_space<hbm>>
    tpu.wait_dma2 semaphore(%arg14 : memref<!tpu.dma_semaphore, #tpu.memory_space<semaphore_mem>>) src(%dma_wait3A_215 : memref<256xi32, #tpu.memory_space<hbm>>) dst(%dma_wait3A_214 : memref<256xi32, #tpu.memory_space<vmem>>)
    %dma_wait3A_216 = arith.constant 0 : i32
    %dma_wait3A_217 = tpu.memref_slice %arg9[%dma_wait3A_216] : memref<2048xf32, #tpu.memory_space<vmem>> -> memref<256xf32, #tpu.memory_space<vmem>>
    %dma_wait3A_218 = tpu.memref_slice %arg3[%add3A_41] : memref<65536xf32, #tpu.memory_space<hbm>> -> memref<256xf32, #tpu.memory_space<hbm>>
    %dma_wait3A_219 = arith.constant 0 : i32
    %dma_wait3A_220 = tpu.memref_slice %arg9[%dma_wait3A_219] : memref<2048xf32, #tpu.memory_space<vmem>> -> memref<256xf32, #tpu.memory_space<vmem>>
    %dma_wait3A_221 = tpu.memref_slice %arg3[%add3A_41] : memref<65536xf32, #tpu.memory_space<hbm>> -> memref<256xf32, #tpu.memory_space<hbm>>
    tpu.wait_dma2 semaphore(%arg14 : memref<!tpu.dma_semaphore, #tpu.memory_space<semaphore_mem>>) src(%dma_wait3A_221 : memref<256xf32, #tpu.memory_space<hbm>>) dst(%dma_wait3A_220 : memref<256xf32, #tpu.memory_space<vmem>>)
    %dma_wait3A_222 = arith.constant 256 : i32
    %dma_wait3A_223 = tpu.memref_slice %arg8[%dma_wait3A_222] : memref<2048xi32, #tpu.memory_space<vmem>> -> memref<256xi32, #tpu.memory_space<vmem>>
    %dma_wait3A_224 = tpu.memref_slice %arg2[%add3A_48] : memref<65536xi32, #tpu.memory_space<hbm>> -> memref<256xi32, #tpu.memory_space<hbm>>
    %dma_wait3A_225 = arith.constant 256 : i32
    %dma_wait3A_226 = tpu.memref_slice %arg8[%dma_wait3A_225] : memref<2048xi32, #tpu.memory_space<vmem>> -> memref<256xi32, #tpu.memory_space<vmem>>
    %dma_wait3A_227 = tpu.memref_slice %arg2[%add3A_48] : memref<65536xi32, #tpu.memory_space<hbm>> -> memref<256xi32, #tpu.memory_space<hbm>>
    tpu.wait_dma2 semaphore(%arg14 : memref<!tpu.dma_semaphore, #tpu.memory_space<semaphore_mem>>) src(%dma_wait3A_227 : memref<256xi32, #tpu.memory_space<hbm>>) dst(%dma_wait3A_226 : memref<256xi32, #tpu.memory_space<vmem>>)
    %dma_wait3A_228 = arith.constant 256 : i32
    %dma_wait3A_229 = tpu.memref_slice %arg9[%dma_wait3A_228] : memref<2048xf32, #tpu.memory_space<vmem>> -> memref<256xf32, #tpu.memory_space<vmem>>
    %dma_wait3A_230 = tpu.memref_slice %arg3[%add3A_48] : memref<65536xf32, #tpu.memory_space<hbm>> -> memref<256xf32, #tpu.memory_space<hbm>>
    %dma_wait3A_231 = arith.constant 256 : i32
    %dma_wait3A_232 = tpu.memref_slice %arg9[%dma_wait3A_231] : memref<2048xf32, #tpu.memory_space<vmem>> -> memref<256xf32, #tpu.memory_space<vmem>>
    %dma_wait3A_233 = tpu.memref_slice %arg3[%add3A_48] : memref<65536xf32, #tpu.memory_space<hbm>> -> memref<256xf32, #tpu.memory_space<hbm>>
    tpu.wait_dma2 semaphore(%arg14 : memref<!tpu.dma_semaphore, #tpu.memory_space<semaphore_mem>>) src(%dma_wait3A_233 : memref<256xf32, #tpu.memory_space<hbm>>) dst(%dma_wait3A_232 : memref<256xf32, #tpu.memory_space<vmem>>)
    %dma_wait3A_234 = arith.constant 512 : i32
    %dma_wait3A_235 = tpu.memref_slice %arg8[%dma_wait3A_234] : memref<2048xi32, #tpu.memory_space<vmem>> -> memref<256xi32, #tpu.memory_space<vmem>>
    %dma_wait3A_236 = tpu.memref_slice %arg2[%add3A_55] : memref<65536xi32, #tpu.memory_space<hbm>> -> memref<256xi32, #tpu.memory_space<hbm>>
    %dma_wait3A_237 = arith.constant 512 : i32
    %dma_wait3A_238 = tpu.memref_slice %arg8[%dma_wait3A_237] : memref<2048xi32, #tpu.memory_space<vmem>> -> memref<256xi32, #tpu.memory_space<vmem>>
    %dma_wait3A_239 = tpu.memref_slice %arg2[%add3A_55] : memref<65536xi32, #tpu.memory_space<hbm>> -> memref<256xi32, #tpu.memory_space<hbm>>
    tpu.wait_dma2 semaphore(%arg14 : memref<!tpu.dma_semaphore, #tpu.memory_space<semaphore_mem>>) src(%dma_wait3A_239 : memref<256xi32, #tpu.memory_space<hbm>>) dst(%dma_wait3A_238 : memref<256xi32, #tpu.memory_space<vmem>>)
    %dma_wait3A_240 = arith.constant 512 : i32
    %dma_wait3A_241 = tpu.memref_slice %arg9[%dma_wait3A_240] : memref<2048xf32, #tpu.memory_space<vmem>> -> memref<256xf32, #tpu.memory_space<vmem>>
    %dma_wait3A_242 = tpu.memref_slice %arg3[%add3A_55] : memref<65536xf32, #tpu.memory_space<hbm>> -> memref<256xf32, #tpu.memory_space<hbm>>
    %dma_wait3A_243 = arith.constant 512 : i32
    %dma_wait3A_244 = tpu.memref_slice %arg9[%dma_wait3A_243] : memref<2048xf32, #tpu.memory_space<vmem>> -> memref<256xf32, #tpu.memory_space<vmem>>
    %dma_wait3A_245 = tpu.memref_slice %arg3[%add3A_55] : memref<65536xf32, #tpu.memory_space<hbm>> -> memref<256xf32, #tpu.memory_space<hbm>>
    tpu.wait_dma2 semaphore(%arg14 : memref<!tpu.dma_semaphore, #tpu.memory_space<semaphore_mem>>) src(%dma_wait3A_245 : memref<256xf32, #tpu.memory_space<hbm>>) dst(%dma_wait3A_244 : memref<256xf32, #tpu.memory_space<vmem>>)
    %dma_wait3A_246 = arith.constant 768 : i32
    %dma_wait3A_247 = tpu.memref_slice %arg8[%dma_wait3A_246] : memref<2048xi32, #tpu.memory_space<vmem>> -> memref<256xi32, #tpu.memory_space<vmem>>
    %dma_wait3A_248 = tpu.memref_slice %arg2[%add3A_62] : memref<65536xi32, #tpu.memory_space<hbm>> -> memref<256xi32, #tpu.memory_space<hbm>>
    %dma_wait3A_249 = arith.constant 768 : i32
    %dma_wait3A_250 = tpu.memref_slice %arg8[%dma_wait3A_249] : memref<2048xi32, #tpu.memory_space<vmem>> -> memref<256xi32, #tpu.memory_space<vmem>>
    %dma_wait3A_251 = tpu.memref_slice %arg2[%add3A_62] : memref<65536xi32, #tpu.memory_space<hbm>> -> memref<256xi32, #tpu.memory_space<hbm>>
    tpu.wait_dma2 semaphore(%arg14 : memref<!tpu.dma_semaphore, #tpu.memory_space<semaphore_mem>>) src(%dma_wait3A_251 : memref<256xi32, #tpu.memory_space<hbm>>) dst(%dma_wait3A_250 : memref<256xi32, #tpu.memory_space<vmem>>)
    %dma_wait3A_252 = arith.constant 768 : i32
    %dma_wait3A_253 = tpu.memref_slice %arg9[%dma_wait3A_252] : memref<2048xf32, #tpu.memory_space<vmem>> -> memref<256xf32, #tpu.memory_space<vmem>>
    %dma_wait3A_254 = tpu.memref_slice %arg3[%add3A_62] : memref<65536xf32, #tpu.memory_space<hbm>> -> memref<256xf32, #tpu.memory_space<hbm>>
    %dma_wait3A_255 = arith.constant 768 : i32
    %dma_wait3A_256 = tpu.memref_slice %arg9[%dma_wait3A_255] : memref<2048xf32, #tpu.memory_space<vmem>> -> memref<256xf32, #tpu.memory_space<vmem>>
    %dma_wait3A_257 = tpu.memref_slice %arg3[%add3A_62] : memref<65536xf32, #tpu.memory_space<hbm>> -> memref<256xf32, #tpu.memory_space<hbm>>
    tpu.wait_dma2 semaphore(%arg14 : memref<!tpu.dma_semaphore, #tpu.memory_space<semaphore_mem>>) src(%dma_wait3A_257 : memref<256xf32, #tpu.memory_space<hbm>>) dst(%dma_wait3A_256 : memref<256xf32, #tpu.memory_space<vmem>>)
    %dma_wait3A_258 = arith.constant 1024 : i32
    %dma_wait3A_259 = tpu.memref_slice %arg8[%dma_wait3A_258] : memref<2048xi32, #tpu.memory_space<vmem>> -> memref<256xi32, #tpu.memory_space<vmem>>
    %dma_wait3A_260 = tpu.memref_slice %arg2[%add3A_69] : memref<65536xi32, #tpu.memory_space<hbm>> -> memref<256xi32, #tpu.memory_space<hbm>>
    %dma_wait3A_261 = arith.constant 1024 : i32
    %dma_wait3A_262 = tpu.memref_slice %arg8[%dma_wait3A_261] : memref<2048xi32, #tpu.memory_space<vmem>> -> memref<256xi32, #tpu.memory_space<vmem>>
    %dma_wait3A_263 = tpu.memref_slice %arg2[%add3A_69] : memref<65536xi32, #tpu.memory_space<hbm>> -> memref<256xi32, #tpu.memory_space<hbm>>
    tpu.wait_dma2 semaphore(%arg14 : memref<!tpu.dma_semaphore, #tpu.memory_space<semaphore_mem>>) src(%dma_wait3A_263 : memref<256xi32, #tpu.memory_space<hbm>>) dst(%dma_wait3A_262 : memref<256xi32, #tpu.memory_space<vmem>>)
    %dma_wait3A_264 = arith.constant 1024 : i32
    %dma_wait3A_265 = tpu.memref_slice %arg9[%dma_wait3A_264] : memref<2048xf32, #tpu.memory_space<vmem>> -> memref<256xf32, #tpu.memory_space<vmem>>
    %dma_wait3A_266 = tpu.memref_slice %arg3[%add3A_69] : memref<65536xf32, #tpu.memory_space<hbm>> -> memref<256xf32, #tpu.memory_space<hbm>>
    %dma_wait3A_267 = arith.constant 1024 : i32
    %dma_wait3A_268 = tpu.memref_slice %arg9[%dma_wait3A_267] : memref<2048xf32, #tpu.memory_space<vmem>> -> memref<256xf32, #tpu.memory_space<vmem>>
    %dma_wait3A_269 = tpu.memref_slice %arg3[%add3A_69] : memref<65536xf32, #tpu.memory_space<hbm>> -> memref<256xf32, #tpu.memory_space<hbm>>
    tpu.wait_dma2 semaphore(%arg14 : memref<!tpu.dma_semaphore, #tpu.memory_space<semaphore_mem>>) src(%dma_wait3A_269 : memref<256xf32, #tpu.memory_space<hbm>>) dst(%dma_wait3A_268 : memref<256xf32, #tpu.memory_space<vmem>>)
    %dma_wait3A_270 = arith.constant 1280 : i32
    %dma_wait3A_271 = tpu.memref_slice %arg8[%dma_wait3A_270] : memref<2048xi32, #tpu.memory_space<vmem>> -> memref<256xi32, #tpu.memory_space<vmem>>
    %dma_wait3A_272 = tpu.memref_slice %arg2[%add3A_76] : memref<65536xi32, #tpu.memory_space<hbm>> -> memref<256xi32, #tpu.memory_space<hbm>>
    %dma_wait3A_273 = arith.constant 1280 : i32
    %dma_wait3A_274 = tpu.memref_slice %arg8[%dma_wait3A_273] : memref<2048xi32, #tpu.memory_space<vmem>> -> memref<256xi32, #tpu.memory_space<vmem>>
    %dma_wait3A_275 = tpu.memref_slice %arg2[%add3A_76] : memref<65536xi32, #tpu.memory_space<hbm>> -> memref<256xi32, #tpu.memory_space<hbm>>
    tpu.wait_dma2 semaphore(%arg14 : memref<!tpu.dma_semaphore, #tpu.memory_space<semaphore_mem>>) src(%dma_wait3A_275 : memref<256xi32, #tpu.memory_space<hbm>>) dst(%dma_wait3A_274 : memref<256xi32, #tpu.memory_space<vmem>>)
    %dma_wait3A_276 = arith.constant 1280 : i32
    %dma_wait3A_277 = tpu.memref_slice %arg9[%dma_wait3A_276] : memref<2048xf32, #tpu.memory_space<vmem>> -> memref<256xf32, #tpu.memory_space<vmem>>
    %dma_wait3A_278 = tpu.memref_slice %arg3[%add3A_76] : memref<65536xf32, #tpu.memory_space<hbm>> -> memref<256xf32, #tpu.memory_space<hbm>>
    %dma_wait3A_279 = arith.constant 1280 : i32
    %dma_wait3A_280 = tpu.memref_slice %arg9[%dma_wait3A_279] : memref<2048xf32, #tpu.memory_space<vmem>> -> memref<256xf32, #tpu.memory_space<vmem>>
    %dma_wait3A_281 = tpu.memref_slice %arg3[%add3A_76] : memref<65536xf32, #tpu.memory_space<hbm>> -> memref<256xf32, #tpu.memory_space<hbm>>
    tpu.wait_dma2 semaphore(%arg14 : memref<!tpu.dma_semaphore, #tpu.memory_space<semaphore_mem>>) src(%dma_wait3A_281 : memref<256xf32, #tpu.memory_space<hbm>>) dst(%dma_wait3A_280 : memref<256xf32, #tpu.memory_space<vmem>>)
    %dma_wait3A_282 = arith.constant 1536 : i32
    %dma_wait3A_283 = tpu.memref_slice %arg8[%dma_wait3A_282] : memref<2048xi32, #tpu.memory_space<vmem>> -> memref<256xi32, #tpu.memory_space<vmem>>
    %dma_wait3A_284 = tpu.memref_slice %arg2[%add3A_83] : memref<65536xi32, #tpu.memory_space<hbm>> -> memref<256xi32, #tpu.memory_space<hbm>>
    %dma_wait3A_285 = arith.constant 1536 : i32
    %dma_wait3A_286 = tpu.memref_slice %arg8[%dma_wait3A_285] : memref<2048xi32, #tpu.memory_space<vmem>> -> memref<256xi32, #tpu.memory_space<vmem>>
    %dma_wait3A_287 = tpu.memref_slice %arg2[%add3A_83] : memref<65536xi32, #tpu.memory_space<hbm>> -> memref<256xi32, #tpu.memory_space<hbm>>
    tpu.wait_dma2 semaphore(%arg14 : memref<!tpu.dma_semaphore, #tpu.memory_space<semaphore_mem>>) src(%dma_wait3A_287 : memref<256xi32, #tpu.memory_space<hbm>>) dst(%dma_wait3A_286 : memref<256xi32, #tpu.memory_space<vmem>>)
    %dma_wait3A_288 = arith.constant 1536 : i32
    %dma_wait3A_289 = tpu.memref_slice %arg9[%dma_wait3A_288] : memref<2048xf32, #tpu.memory_space<vmem>> -> memref<256xf32, #tpu.memory_space<vmem>>
    %dma_wait3A_290 = tpu.memref_slice %arg3[%add3A_83] : memref<65536xf32, #tpu.memory_space<hbm>> -> memref<256xf32, #tpu.memory_space<hbm>>
    %dma_wait3A_291 = arith.constant 1536 : i32
    %dma_wait3A_292 = tpu.memref_slice %arg9[%dma_wait3A_291] : memref<2048xf32, #tpu.memory_space<vmem>> -> memref<256xf32, #tpu.memory_space<vmem>>
    %dma_wait3A_293 = tpu.memref_slice %arg3[%add3A_83] : memref<65536xf32, #tpu.memory_space<hbm>> -> memref<256xf32, #tpu.memory_space<hbm>>
    tpu.wait_dma2 semaphore(%arg14 : memref<!tpu.dma_semaphore, #tpu.memory_space<semaphore_mem>>) src(%dma_wait3A_293 : memref<256xf32, #tpu.memory_space<hbm>>) dst(%dma_wait3A_292 : memref<256xf32, #tpu.memory_space<vmem>>)
    %dma_wait3A_294 = arith.constant 1792 : i32
    %dma_wait3A_295 = tpu.memref_slice %arg8[%dma_wait3A_294] : memref<2048xi32, #tpu.memory_space<vmem>> -> memref<256xi32, #tpu.memory_space<vmem>>
    %dma_wait3A_296 = tpu.memref_slice %arg2[%add3A_90] : memref<65536xi32, #tpu.memory_space<hbm>> -> memref<256xi32, #tpu.memory_space<hbm>>
    %dma_wait3A_297 = arith.constant 1792 : i32
    %dma_wait3A_298 = tpu.memref_slice %arg8[%dma_wait3A_297] : memref<2048xi32, #tpu.memory_space<vmem>> -> memref<256xi32, #tpu.memory_space<vmem>>
    %dma_wait3A_299 = tpu.memref_slice %arg2[%add3A_90] : memref<65536xi32, #tpu.memory_space<hbm>> -> memref<256xi32, #tpu.memory_space<hbm>>
    tpu.wait_dma2 semaphore(%arg14 : memref<!tpu.dma_semaphore, #tpu.memory_space<semaphore_mem>>) src(%dma_wait3A_299 : memref<256xi32, #tpu.memory_space<hbm>>) dst(%dma_wait3A_298 : memref<256xi32, #tpu.memory_space<vmem>>)
    %dma_wait3A_300 = arith.constant 1792 : i32
    %dma_wait3A_301 = tpu.memref_slice %arg9[%dma_wait3A_300] : memref<2048xf32, #tpu.memory_space<vmem>> -> memref<256xf32, #tpu.memory_space<vmem>>
    %dma_wait3A_302 = tpu.memref_slice %arg3[%add3A_90] : memref<65536xf32, #tpu.memory_space<hbm>> -> memref<256xf32, #tpu.memory_space<hbm>>
    %dma_wait3A_303 = arith.constant 1792 : i32
    %dma_wait3A_304 = tpu.memref_slice %arg9[%dma_wait3A_303] : memref<2048xf32, #tpu.memory_space<vmem>> -> memref<256xf32, #tpu.memory_space<vmem>>
    %dma_wait3A_305 = tpu.memref_slice %arg3[%add3A_90] : memref<65536xf32, #tpu.memory_space<hbm>> -> memref<256xf32, #tpu.memory_space<hbm>>
    tpu.wait_dma2 semaphore(%arg14 : memref<!tpu.dma_semaphore, #tpu.memory_space<semaphore_mem>>) src(%dma_wait3A_305 : memref<256xf32, #tpu.memory_space<hbm>>) dst(%dma_wait3A_304 : memref<256xf32, #tpu.memory_space<vmem>>)
    %dma_wait3A_306 = tpu.memref_slice %arg4[%add3A_113] : memref<2048xi32, #tpu.memory_space<hbm>> -> memref<64xi32, #tpu.memory_space<hbm>>
    %dma_wait3A_307 = tpu.memref_slice %arg4[%add3A_113] : memref<2048xi32, #tpu.memory_space<hbm>> -> memref<64xi32, #tpu.memory_space<hbm>>
    tpu.wait_dma2 semaphore(%arg14 : memref<!tpu.dma_semaphore, #tpu.memory_space<semaphore_mem>>) src(%dma_wait3A_307 : memref<64xi32, #tpu.memory_space<hbm>>) dst(%arg10 : memref<64xi32, #tpu.memory_space<vmem>>)
    %iota3A = tpu.iota {dimensions = array<i32: 0>} : vector<16xi32>
    %and3A_308 = arith.constant 7 : i32
    %and3A_309 = vector.broadcast %and3A_308 : i32 to vector<16xi32>
    %and3A_310 = arith.andi %iota3A, %and3A_309 : vector<16xi32>
    %shift_right_logical3A = arith.constant 3 : i32
    %shift_right_logical3A_311 = vector.broadcast %shift_right_logical3A : i32 to vector<16xi32>
    %shift_right_logical3A_312 = arith.shrui %iota3A, %shift_right_logical3A_311 : vector<16xi32>
    %mul3A_313 = arith.constant 256 : i32
    %mul3A_314 = vector.broadcast %mul3A_313 : i32 to vector<16xi32>
    %mul3A_315 = arith.muli %and3A_310, %mul3A_314 : vector<16xi32>
    %add3A_316 = arith.addi %mul3A_315, %shift_right_logical3A_312 : vector<16xi32>
    %lt3A_317 = arith.constant 8 : i32
    %lt3A_318 = vector.broadcast %lt3A_317 : i32 to vector<16xi32>
    %lt3A_319 = arith.cmpi slt, %iota3A, %lt3A_318 : vector<16xi32>
    %not3A = arith.constant dense<true> : vector<16xi1>
    %not3A_320 = arith.xori %lt3A_319, %not3A : vector<16xi1>
    %broadcast_in_dim3A = arith.constant 1 : i32
    %broadcast_in_dim3A_321 = vector.broadcast %broadcast_in_dim3A : i32 to vector<16xi32>
    %broadcast_in_dim3A_322 = arith.constant 1280 : i32
    %broadcast_in_dim3A_323 = vector.broadcast %broadcast_in_dim3A_322 : i32 to vector<16xi32>
    %scan3A = arith.constant 0 : i32
    %scan3A_324 = arith.constant 0 : i32
    %scan3A_325 = arith.constant 128 : i32
    %scan3A_326 = arith.addi %scan3A_324, %scan3A_325 : i32
    %scan3A_327 = arith.constant 8 : i32
    scf.for %scan3A_347 = %scan3A_324 to %scan3A_326 step %scan3A_327  : i32 {
      %mul3A_348 = arith.constant 2 : i32
      %mul3A_349 = arith.muli %mul3A_348, %scan3A_347 : i32
      %add3A_350 = vector.broadcast %mul3A_349 : i32 to vector<16xi32>
      %add3A_351 = arith.addi %add3A_316, %add3A_350 : vector<16xi32>
      %gather3A = tpu.vector_load_idx %arg8[%add3A_351] : memref<2048xi32, #tpu.memory_space<vmem>>[vector<16xi32>], vector<16xi32>,
      %gather3A_352 = tpu.vector_load_idx %arg9[%add3A_351] : memref<2048xf32, #tpu.memory_space<vmem>>[vector<16xi32>], vector<16xf32>,
      %gather3A_353 = tpu.vector_load_idx %arg10[%gather3A] masked %lt3A_319 : memref<64xi32, #tpu.memory_space<vmem>>[vector<16xi32>], vector<16xi32>, vector<16xi1>
      tpu.vector_store_idx %arg10[%gather3A], %broadcast_in_dim3A_321 masked %lt3A_319 {add = true} : memref<64xi32, #tpu.memory_space<vmem>>[vector<16xi32>], vector<16xi32>, vector<16xi1>
      %gather3A_354 = tpu.vector_load_idx %arg10[%gather3A] masked %not3A_320 : memref<64xi32, #tpu.memory_space<vmem>>[vector<16xi32>], vector<16xi32>, vector<16xi1>
      tpu.vector_store_idx %arg10[%gather3A], %broadcast_in_dim3A_321 masked %not3A_320 {add = true} : memref<64xi32, #tpu.memory_space<vmem>>[vector<16xi32>], vector<16xi32>, vector<16xi1>
      %select_n3A_355 = arith.select %lt3A_319, %gather3A_353, %gather3A_354 : vector<16xi1>, vector<16xi32>
      %lt3A_356 = arith.cmpi slt, %select_n3A_355, %broadcast_in_dim3A_323 : vector<16xi32>
      %and3A_357 = arith.andi %lt3A_356, %lt3A_319 : vector<16xi1>
      %all_reduce_population_count3A = tpu.all_reduce %and3A_357 {dim = 0 : i64, kind = #tpu.reduction_kind<sum>} : vector<16xi1> -> vector<16xi32>
      %all_reduce_population_count3A_358 = tpu.all_reduce %lt3A_356 {dim = 0 : i64, kind = #tpu.reduction_kind<sum>} : vector<16xi1> -> vector<16xi32>
      %sub3A_359 = arith.subi %all_reduce_population_count3A_358, %all_reduce_population_count3A : vector<16xi32>
      %select_n3A_360 = arith.select %lt3A_319, %all_reduce_population_count3A, %sub3A_359 : vector<16xi1>, vector<16xi32>
      %convert_element_type3A = arith.sitofp %select_n3A_360 : vector<16xi32> to vector<16xf32>
      %add3A_361 = arith.constant 1.000000e-10 : f32
      %add3A_362 = vector.broadcast %add3A_361 : f32 to vector<16xf32>
      %add3A_363 = arith.addf %convert_element_type3A, %add3A_362 : vector<16xf32>
      %jit3A_364 = arith.constant 1.000000e+00 : f32
      %jit3A_365 = arith.constant 0.000000e+00 : f32
      %broadcast_in_dim3A_366 = vector.broadcast %jit3A_364 : f32 to vector<16xf32>
      %broadcast_in_dim3A_367 = vector.broadcast %jit3A_365 : f32 to vector<16xf32>
      %select_n3A_368 = arith.select %lt3A_356, %broadcast_in_dim3A_366, %broadcast_in_dim3A_367 : vector<16xi1>, vector<16xf32>
      %mul3A_369 = arith.mulf %gather3A_352, %select_n3A_368 : vector<16xf32>
      %div3A_370 = arith.divf %mul3A_369, %add3A_363 : vector<16xf32>
      %mul3A_371 = arith.constant 16 : i32
      %mul3A_372 = arith.muli %mul3A_371, %scan3A_347 : i32
      %swap3A = arith.index_cast %mul3A_372 : i32 to index
      %swap3A_373 = tpu.vector_load %arg11[%swap3A] {strides = array<i32>} : memref<2048xi32, #tpu.memory_space<vmem>>, vector<16xi32>,
      tpu.vector_store %arg11[%swap3A], %gather3A {strides = array<i32>} : memref<2048xi32, #tpu.memory_space<vmem>>, vector<16xi32>,
      %swap3A_374 = arith.index_cast %mul3A_372 : i32 to index
      %swap3A_375 = tpu.vector_load %arg12[%swap3A_374] {strides = array<i32>} : memref<2048xf32, #tpu.memory_space<vmem>>, vector<16xf32>,
      tpu.vector_store %arg12[%swap3A_374], %select_n3A_368 {strides = array<i32>} : memref<2048xf32, #tpu.memory_space<vmem>>, vector<16xf32>,
      %swap3A_376 = arith.index_cast %mul3A_372 : i32 to index
      %swap3A_377 = tpu.vector_load %arg13[%swap3A_376] {strides = array<i32>} : memref<2048xf32, #tpu.memory_space<vmem>>, vector<16xf32>,
      tpu.vector_store %arg13[%swap3A_376], %div3A_370 {strides = array<i32>} : memref<2048xf32, #tpu.memory_space<vmem>>, vector<16xf32>,
      %scan3A_378 = arith.constant 1 : i32
      %scan3A_379 = arith.addi %scan3A_347, %scan3A_378 : i32
      %mul3A_380 = arith.constant 2 : i32
      %mul3A_381 = arith.muli %mul3A_380, %scan3A_379 : i32
      %add3A_382 = vector.broadcast %mul3A_381 : i32 to vector<16xi32>
      %add3A_383 = arith.addi %add3A_316, %add3A_382 : vector<16xi32>
      %gather3A_384 = tpu.vector_load_idx %arg8[%add3A_383] : memref<2048xi32, #tpu.memory_space<vmem>>[vector<16xi32>], vector<16xi32>,
      %gather3A_385 = tpu.vector_load_idx %arg9[%add3A_383] : memref<2048xf32, #tpu.memory_space<vmem>>[vector<16xi32>], vector<16xf32>,
      %gather3A_386 = tpu.vector_load_idx %arg10[%gather3A_384] masked %lt3A_319 : memref<64xi32, #tpu.memory_space<vmem>>[vector<16xi32>], vector<16xi32>, vector<16xi1>
      tpu.vector_store_idx %arg10[%gather3A_384], %broadcast_in_dim3A_321 masked %lt3A_319 {add = true} : memref<64xi32, #tpu.memory_space<vmem>>[vector<16xi32>], vector<16xi32>, vector<16xi1>
      %gather3A_387 = tpu.vector_load_idx %arg10[%gather3A_384] masked %not3A_320 : memref<64xi32, #tpu.memory_space<vmem>>[vector<16xi32>], vector<16xi32>, vector<16xi1>
      tpu.vector_store_idx %arg10[%gather3A_384], %broadcast_in_dim3A_321 masked %not3A_320 {add = true} : memref<64xi32, #tpu.memory_space<vmem>>[vector<16xi32>], vector<16xi32>, vector<16xi1>
      %select_n3A_388 = arith.select %lt3A_319, %gather3A_386, %gather3A_387 : vector<16xi1>, vector<16xi32>
      %lt3A_389 = arith.cmpi slt, %select_n3A_388, %broadcast_in_dim3A_323 : vector<16xi32>
      %and3A_390 = arith.andi %lt3A_389, %lt3A_319 : vector<16xi1>
      %all_reduce_population_count3A_391 = tpu.all_reduce %and3A_390 {dim = 0 : i64, kind = #tpu.reduction_kind<sum>} : vector<16xi1> -> vector<16xi32>
      %all_reduce_population_count3A_392 = tpu.all_reduce %lt3A_389 {dim = 0 : i64, kind = #tpu.reduction_kind<sum>} : vector<16xi1> -> vector<16xi32>
      %sub3A_393 = arith.subi %all_reduce_population_count3A_392, %all_reduce_population_count3A_391 : vector<16xi32>
      %select_n3A_394 = arith.select %lt3A_319, %all_reduce_population_count3A_391, %sub3A_393 : vector<16xi1>, vector<16xi32>
      %convert_element_type3A_395 = arith.sitofp %select_n3A_394 : vector<16xi32> to vector<16xf32>
      %add3A_396 = arith.constant 1.000000e-10 : f32
      %add3A_397 = vector.broadcast %add3A_396 : f32 to vector<16xf32>
      %add3A_398 = arith.addf %convert_element_type3A_395, %add3A_397 : vector<16xf32>
      %jit3A_399 = arith.constant 1.000000e+00 : f32
      %jit3A_400 = arith.constant 0.000000e+00 : f32
      %broadcast_in_dim3A_401 = vector.broadcast %jit3A_399 : f32 to vector<16xf32>
      %broadcast_in_dim3A_402 = vector.broadcast %jit3A_400 : f32 to vector<16xf32>
      %select_n3A_403 = arith.select %lt3A_389, %broadcast_in_dim3A_401, %broadcast_in_dim3A_402 : vector<16xi1>, vector<16xf32>
      %mul3A_404 = arith.mulf %gather3A_385, %select_n3A_403 : vector<16xf32>
      %div3A_405 = arith.divf %mul3A_404, %add3A_398 : vector<16xf32>
      %mul3A_406 = arith.constant 16 : i32
      %mul3A_407 = arith.muli %mul3A_406, %scan3A_379 : i32
      %swap3A_408 = arith.index_cast %mul3A_407 : i32 to index
      %swap3A_409 = tpu.vector_load %arg11[%swap3A_408] {strides = array<i32>} : memref<2048xi32, #tpu.memory_space<vmem>>, vector<16xi32>,
      tpu.vector_store %arg11[%swap3A_408], %gather3A_384 {strides = array<i32>} : memref<2048xi32, #tpu.memory_space<vmem>>, vector<16xi32>,
      %swap3A_410 = arith.index_cast %mul3A_407 : i32 to index
      %swap3A_411 = tpu.vector_load %arg12[%swap3A_410] {strides = array<i32>} : memref<2048xf32, #tpu.memory_space<vmem>>, vector<16xf32>,
      tpu.vector_store %arg12[%swap3A_410], %select_n3A_403 {strides = array<i32>} : memref<2048xf32, #tpu.memory_space<vmem>>, vector<16xf32>,
      %swap3A_412 = arith.index_cast %mul3A_407 : i32 to index
      %swap3A_413 = tpu.vector_load %arg13[%swap3A_412] {strides = array<i32>} : memref<2048xf32, #tpu.memory_space<vmem>>, vector<16xf32>,
      tpu.vector_store %arg13[%swap3A_412], %div3A_405 {strides = array<i32>} : memref<2048xf32, #tpu.memory_space<vmem>>, vector<16xf32>,
      %scan3A_414 = arith.constant 2 : i32
      %scan3A_415 = arith.addi %scan3A_347, %scan3A_414 : i32
      %mul3A_416 = arith.constant 2 : i32
      %mul3A_417 = arith.muli %mul3A_416, %scan3A_415 : i32
      %add3A_418 = vector.broadcast %mul3A_417 : i32 to vector<16xi32>
      %add3A_419 = arith.addi %add3A_316, %add3A_418 : vector<16xi32>
      %gather3A_420 = tpu.vector_load_idx %arg8[%add3A_419] : memref<2048xi32, #tpu.memory_space<vmem>>[vector<16xi32>], vector<16xi32>,
      %gather3A_421 = tpu.vector_load_idx %arg9[%add3A_419] : memref<2048xf32, #tpu.memory_space<vmem>>[vector<16xi32>], vector<16xf32>,
      %gather3A_422 = tpu.vector_load_idx %arg10[%gather3A_420] masked %lt3A_319 : memref<64xi32, #tpu.memory_space<vmem>>[vector<16xi32>], vector<16xi32>, vector<16xi1>
      tpu.vector_store_idx %arg10[%gather3A_420], %broadcast_in_dim3A_321 masked %lt3A_319 {add = true} : memref<64xi32, #tpu.memory_space<vmem>>[vector<16xi32>], vector<16xi32>, vector<16xi1>
      %gather3A_423 = tpu.vector_load_idx %arg10[%gather3A_420] masked %not3A_320 : memref<64xi32, #tpu.memory_space<vmem>>[vector<16xi32>], vector<16xi32>, vector<16xi1>
      tpu.vector_store_idx %arg10[%gather3A_420], %broadcast_in_dim3A_321 masked %not3A_320 {add = true} : memref<64xi32, #tpu.memory_space<vmem>>[vector<16xi32>], vector<16xi32>, vector<16xi1>
      %select_n3A_424 = arith.select %lt3A_319, %gather3A_422, %gather3A_423 : vector<16xi1>, vector<16xi32>
      %lt3A_425 = arith.cmpi slt, %select_n3A_424, %broadcast_in_dim3A_323 : vector<16xi32>
      %and3A_426 = arith.andi %lt3A_425, %lt3A_319 : vector<16xi1>
      %all_reduce_population_count3A_427 = tpu.all_reduce %and3A_426 {dim = 0 : i64, kind = #tpu.reduction_kind<sum>} : vector<16xi1> -> vector<16xi32>
      %all_reduce_population_count3A_428 = tpu.all_reduce %lt3A_425 {dim = 0 : i64, kind = #tpu.reduction_kind<sum>} : vector<16xi1> -> vector<16xi32>
      %sub3A_429 = arith.subi %all_reduce_population_count3A_428, %all_reduce_population_count3A_427 : vector<16xi32>
      %select_n3A_430 = arith.select %lt3A_319, %all_reduce_population_count3A_427, %sub3A_429 : vector<16xi1>, vector<16xi32>
      %convert_element_type3A_431 = arith.sitofp %select_n3A_430 : vector<16xi32> to vector<16xf32>
      %add3A_432 = arith.constant 1.000000e-10 : f32
      %add3A_433 = vector.broadcast %add3A_432 : f32 to vector<16xf32>
      %add3A_434 = arith.addf %convert_element_type3A_431, %add3A_433 : vector<16xf32>
      %jit3A_435 = arith.constant 1.000000e+00 : f32
      %jit3A_436 = arith.constant 0.000000e+00 : f32
      %broadcast_in_dim3A_437 = vector.broadcast %jit3A_435 : f32 to vector<16xf32>
      %broadcast_in_dim3A_438 = vector.broadcast %jit3A_436 : f32 to vector<16xf32>
      %select_n3A_439 = arith.select %lt3A_425, %broadcast_in_dim3A_437, %broadcast_in_dim3A_438 : vector<16xi1>, vector<16xf32>
      %mul3A_440 = arith.mulf %gather3A_421, %select_n3A_439 : vector<16xf32>
      %div3A_441 = arith.divf %mul3A_440, %add3A_434 : vector<16xf32>
      %mul3A_442 = arith.constant 16 : i32
      %mul3A_443 = arith.muli %mul3A_442, %scan3A_415 : i32
      %swap3A_444 = arith.index_cast %mul3A_443 : i32 to index
      %swap3A_445 = tpu.vector_load %arg11[%swap3A_444] {strides = array<i32>} : memref<2048xi32, #tpu.memory_space<vmem>>, vector<16xi32>,
      tpu.vector_store %arg11[%swap3A_444], %gather3A_420 {strides = array<i32>} : memref<2048xi32, #tpu.memory_space<vmem>>, vector<16xi32>,
      %swap3A_446 = arith.index_cast %mul3A_443 : i32 to index
      %swap3A_447 = tpu.vector_load %arg12[%swap3A_446] {strides = array<i32>} : memref<2048xf32, #tpu.memory_space<vmem>>, vector<16xf32>,
      tpu.vector_store %arg12[%swap3A_446], %select_n3A_439 {strides = array<i32>} : memref<2048xf32, #tpu.memory_space<vmem>>, vector<16xf32>,
      %swap3A_448 = arith.index_cast %mul3A_443 : i32 to index
      %swap3A_449 = tpu.vector_load %arg13[%swap3A_448] {strides = array<i32>} : memref<2048xf32, #tpu.memory_space<vmem>>, vector<16xf32>,
      tpu.vector_store %arg13[%swap3A_448], %div3A_441 {strides = array<i32>} : memref<2048xf32, #tpu.memory_space<vmem>>, vector<16xf32>,
      %scan3A_450 = arith.constant 3 : i32
      %scan3A_451 = arith.addi %scan3A_347, %scan3A_450 : i32
      %mul3A_452 = arith.constant 2 : i32
      %mul3A_453 = arith.muli %mul3A_452, %scan3A_451 : i32
      %add3A_454 = vector.broadcast %mul3A_453 : i32 to vector<16xi32>
      %add3A_455 = arith.addi %add3A_316, %add3A_454 : vector<16xi32>
      %gather3A_456 = tpu.vector_load_idx %arg8[%add3A_455] : memref<2048xi32, #tpu.memory_space<vmem>>[vector<16xi32>], vector<16xi32>,
      %gather3A_457 = tpu.vector_load_idx %arg9[%add3A_455] : memref<2048xf32, #tpu.memory_space<vmem>>[vector<16xi32>], vector<16xf32>,
      %gather3A_458 = tpu.vector_load_idx %arg10[%gather3A_456] masked %lt3A_319 : memref<64xi32, #tpu.memory_space<vmem>>[vector<16xi32>], vector<16xi32>, vector<16xi1>
      tpu.vector_store_idx %arg10[%gather3A_456], %broadcast_in_dim3A_321 masked %lt3A_319 {add = true} : memref<64xi32, #tpu.memory_space<vmem>>[vector<16xi32>], vector<16xi32>, vector<16xi1>
      %gather3A_459 = tpu.vector_load_idx %arg10[%gather3A_456] masked %not3A_320 : memref<64xi32, #tpu.memory_space<vmem>>[vector<16xi32>], vector<16xi32>, vector<16xi1>
      tpu.vector_store_idx %arg10[%gather3A_456], %broadcast_in_dim3A_321 masked %not3A_320 {add = true} : memref<64xi32, #tpu.memory_space<vmem>>[vector<16xi32>], vector<16xi32>, vector<16xi1>
      %select_n3A_460 = arith.select %lt3A_319, %gather3A_458, %gather3A_459 : vector<16xi1>, vector<16xi32>
      %lt3A_461 = arith.cmpi slt, %select_n3A_460, %broadcast_in_dim3A_323 : vector<16xi32>
      %and3A_462 = arith.andi %lt3A_461, %lt3A_319 : vector<16xi1>
      %all_reduce_population_count3A_463 = tpu.all_reduce %and3A_462 {dim = 0 : i64, kind = #tpu.reduction_kind<sum>} : vector<16xi1> -> vector<16xi32>
      %all_reduce_population_count3A_464 = tpu.all_reduce %lt3A_461 {dim = 0 : i64, kind = #tpu.reduction_kind<sum>} : vector<16xi1> -> vector<16xi32>
      %sub3A_465 = arith.subi %all_reduce_population_count3A_464, %all_reduce_population_count3A_463 : vector<16xi32>
      %select_n3A_466 = arith.select %lt3A_319, %all_reduce_population_count3A_463, %sub3A_465 : vector<16xi1>, vector<16xi32>
      %convert_element_type3A_467 = arith.sitofp %select_n3A_466 : vector<16xi32> to vector<16xf32>
      %add3A_468 = arith.constant 1.000000e-10 : f32
      %add3A_469 = vector.broadcast %add3A_468 : f32 to vector<16xf32>
      %add3A_470 = arith.addf %convert_element_type3A_467, %add3A_469 : vector<16xf32>
      %jit3A_471 = arith.constant 1.000000e+00 : f32
      %jit3A_472 = arith.constant 0.000000e+00 : f32
      %broadcast_in_dim3A_473 = vector.broadcast %jit3A_471 : f32 to vector<16xf32>
      %broadcast_in_dim3A_474 = vector.broadcast %jit3A_472 : f32 to vector<16xf32>
      %select_n3A_475 = arith.select %lt3A_461, %broadcast_in_dim3A_473, %broadcast_in_dim3A_474 : vector<16xi1>, vector<16xf32>
      %mul3A_476 = arith.mulf %gather3A_457, %select_n3A_475 : vector<16xf32>
      %div3A_477 = arith.divf %mul3A_476, %add3A_470 : vector<16xf32>
      %mul3A_478 = arith.constant 16 : i32
      %mul3A_479 = arith.muli %mul3A_478, %scan3A_451 : i32
      %swap3A_480 = arith.index_cast %mul3A_479 : i32 to index
      %swap3A_481 = tpu.vector_load %arg11[%swap3A_480] {strides = array<i32>} : memref<2048xi32, #tpu.memory_space<vmem>>, vector<16xi32>,
      tpu.vector_store %arg11[%swap3A_480], %gather3A_456 {strides = array<i32>} : memref<2048xi32, #tpu.memory_space<vmem>>, vector<16xi32>,
      %swap3A_482 = arith.index_cast %mul3A_479 : i32 to index
      %swap3A_483 = tpu.vector_load %arg12[%swap3A_482] {strides = array<i32>} : memref<2048xf32, #tpu.memory_space<vmem>>, vector<16xf32>,
      tpu.vector_store %arg12[%swap3A_482], %select_n3A_475 {strides = array<i32>} : memref<2048xf32, #tpu.memory_space<vmem>>, vector<16xf32>,
      %swap3A_484 = arith.index_cast %mul3A_479 : i32 to index
      %swap3A_485 = tpu.vector_load %arg13[%swap3A_484] {strides = array<i32>} : memref<2048xf32, #tpu.memory_space<vmem>>, vector<16xf32>,
      tpu.vector_store %arg13[%swap3A_484], %div3A_477 {strides = array<i32>} : memref<2048xf32, #tpu.memory_space<vmem>>, vector<16xf32>,
      %scan3A_486 = arith.constant 4 : i32
      %scan3A_487 = arith.addi %scan3A_347, %scan3A_486 : i32
      %mul3A_488 = arith.constant 2 : i32
      %mul3A_489 = arith.muli %mul3A_488, %scan3A_487 : i32
      %add3A_490 = vector.broadcast %mul3A_489 : i32 to vector<16xi32>
      %add3A_491 = arith.addi %add3A_316, %add3A_490 : vector<16xi32>
      %gather3A_492 = tpu.vector_load_idx %arg8[%add3A_491] : memref<2048xi32, #tpu.memory_space<vmem>>[vector<16xi32>], vector<16xi32>,
      %gather3A_493 = tpu.vector_load_idx %arg9[%add3A_491] : memref<2048xf32, #tpu.memory_space<vmem>>[vector<16xi32>], vector<16xf32>,
      %gather3A_494 = tpu.vector_load_idx %arg10[%gather3A_492] masked %lt3A_319 : memref<64xi32, #tpu.memory_space<vmem>>[vector<16xi32>], vector<16xi32>, vector<16xi1>
      tpu.vector_store_idx %arg10[%gather3A_492], %broadcast_in_dim3A_321 masked %lt3A_319 {add = true} : memref<64xi32, #tpu.memory_space<vmem>>[vector<16xi32>], vector<16xi32>, vector<16xi1>
      %gather3A_495 = tpu.vector_load_idx %arg10[%gather3A_492] masked %not3A_320 : memref<64xi32, #tpu.memory_space<vmem>>[vector<16xi32>], vector<16xi32>, vector<16xi1>
      tpu.vector_store_idx %arg10[%gather3A_492], %broadcast_in_dim3A_321 masked %not3A_320 {add = true} : memref<64xi32, #tpu.memory_space<vmem>>[vector<16xi32>], vector<16xi32>, vector<16xi1>
      %select_n3A_496 = arith.select %lt3A_319, %gather3A_494, %gather3A_495 : vector<16xi1>, vector<16xi32>
      %lt3A_497 = arith.cmpi slt, %select_n3A_496, %broadcast_in_dim3A_323 : vector<16xi32>
      %and3A_498 = arith.andi %lt3A_497, %lt3A_319 : vector<16xi1>
      %all_reduce_population_count3A_499 = tpu.all_reduce %and3A_498 {dim = 0 : i64, kind = #tpu.reduction_kind<sum>} : vector<16xi1> -> vector<16xi32>
      %all_reduce_population_count3A_500 = tpu.all_reduce %lt3A_497 {dim = 0 : i64, kind = #tpu.reduction_kind<sum>} : vector<16xi1> -> vector<16xi32>
      %sub3A_501 = arith.subi %all_reduce_population_count3A_500, %all_reduce_population_count3A_499 : vector<16xi32>
      %select_n3A_502 = arith.select %lt3A_319, %all_reduce_population_count3A_499, %sub3A_501 : vector<16xi1>, vector<16xi32>
      %convert_element_type3A_503 = arith.sitofp %select_n3A_502 : vector<16xi32> to vector<16xf32>
      %add3A_504 = arith.constant 1.000000e-10 : f32
      %add3A_505 = vector.broadcast %add3A_504 : f32 to vector<16xf32>
      %add3A_506 = arith.addf %convert_element_type3A_503, %add3A_505 : vector<16xf32>
      %jit3A_507 = arith.constant 1.000000e+00 : f32
      %jit3A_508 = arith.constant 0.000000e+00 : f32
      %broadcast_in_dim3A_509 = vector.broadcast %jit3A_507 : f32 to vector<16xf32>
      %broadcast_in_dim3A_510 = vector.broadcast %jit3A_508 : f32 to vector<16xf32>
      %select_n3A_511 = arith.select %lt3A_497, %broadcast_in_dim3A_509, %broadcast_in_dim3A_510 : vector<16xi1>, vector<16xf32>
      %mul3A_512 = arith.mulf %gather3A_493, %select_n3A_511 : vector<16xf32>
      %div3A_513 = arith.divf %mul3A_512, %add3A_506 : vector<16xf32>
      %mul3A_514 = arith.constant 16 : i32
      %mul3A_515 = arith.muli %mul3A_514, %scan3A_487 : i32
      %swap3A_516 = arith.index_cast %mul3A_515 : i32 to index
      %swap3A_517 = tpu.vector_load %arg11[%swap3A_516] {strides = array<i32>} : memref<2048xi32, #tpu.memory_space<vmem>>, vector<16xi32>,
      tpu.vector_store %arg11[%swap3A_516], %gather3A_492 {strides = array<i32>} : memref<2048xi32, #tpu.memory_space<vmem>>, vector<16xi32>,
      %swap3A_518 = arith.index_cast %mul3A_515 : i32 to index
      %swap3A_519 = tpu.vector_load %arg12[%swap3A_518] {strides = array<i32>} : memref<2048xf32, #tpu.memory_space<vmem>>, vector<16xf32>,
      tpu.vector_store %arg12[%swap3A_518], %select_n3A_511 {strides = array<i32>} : memref<2048xf32, #tpu.memory_space<vmem>>, vector<16xf32>,
      %swap3A_520 = arith.index_cast %mul3A_515 : i32 to index
      %swap3A_521 = tpu.vector_load %arg13[%swap3A_520] {strides = array<i32>} : memref<2048xf32, #tpu.memory_space<vmem>>, vector<16xf32>,
      tpu.vector_store %arg13[%swap3A_520], %div3A_513 {strides = array<i32>} : memref<2048xf32, #tpu.memory_space<vmem>>, vector<16xf32>,
      %scan3A_522 = arith.constant 5 : i32
      %scan3A_523 = arith.addi %scan3A_347, %scan3A_522 : i32
      %mul3A_524 = arith.constant 2 : i32
      %mul3A_525 = arith.muli %mul3A_524, %scan3A_523 : i32
      %add3A_526 = vector.broadcast %mul3A_525 : i32 to vector<16xi32>
      %add3A_527 = arith.addi %add3A_316, %add3A_526 : vector<16xi32>
      %gather3A_528 = tpu.vector_load_idx %arg8[%add3A_527] : memref<2048xi32, #tpu.memory_space<vmem>>[vector<16xi32>], vector<16xi32>,
      %gather3A_529 = tpu.vector_load_idx %arg9[%add3A_527] : memref<2048xf32, #tpu.memory_space<vmem>>[vector<16xi32>], vector<16xf32>,
      %gather3A_530 = tpu.vector_load_idx %arg10[%gather3A_528] masked %lt3A_319 : memref<64xi32, #tpu.memory_space<vmem>>[vector<16xi32>], vector<16xi32>, vector<16xi1>
      tpu.vector_store_idx %arg10[%gather3A_528], %broadcast_in_dim3A_321 masked %lt3A_319 {add = true} : memref<64xi32, #tpu.memory_space<vmem>>[vector<16xi32>], vector<16xi32>, vector<16xi1>
      %gather3A_531 = tpu.vector_load_idx %arg10[%gather3A_528] masked %not3A_320 : memref<64xi32, #tpu.memory_space<vmem>>[vector<16xi32>], vector<16xi32>, vector<16xi1>
      tpu.vector_store_idx %arg10[%gather3A_528], %broadcast_in_dim3A_321 masked %not3A_320 {add = true} : memref<64xi32, #tpu.memory_space<vmem>>[vector<16xi32>], vector<16xi32>, vector<16xi1>
      %select_n3A_532 = arith.select %lt3A_319, %gather3A_530, %gather3A_531 : vector<16xi1>, vector<16xi32>
      %lt3A_533 = arith.cmpi slt, %select_n3A_532, %broadcast_in_dim3A_323 : vector<16xi32>
      %and3A_534 = arith.andi %lt3A_533, %lt3A_319 : vector<16xi1>
      %all_reduce_population_count3A_535 = tpu.all_reduce %and3A_534 {dim = 0 : i64, kind = #tpu.reduction_kind<sum>} : vector<16xi1> -> vector<16xi32>
      %all_reduce_population_count3A_536 = tpu.all_reduce %lt3A_533 {dim = 0 : i64, kind = #tpu.reduction_kind<sum>} : vector<16xi1> -> vector<16xi32>
      %sub3A_537 = arith.subi %all_reduce_population_count3A_536, %all_reduce_population_count3A_535 : vector<16xi32>
      %select_n3A_538 = arith.select %lt3A_319, %all_reduce_population_count3A_535, %sub3A_537 : vector<16xi1>, vector<16xi32>
      %convert_element_type3A_539 = arith.sitofp %select_n3A_538 : vector<16xi32> to vector<16xf32>
      %add3A_540 = arith.constant 1.000000e-10 : f32
      %add3A_541 = vector.broadcast %add3A_540 : f32 to vector<16xf32>
      %add3A_542 = arith.addf %convert_element_type3A_539, %add3A_541 : vector<16xf32>
      %jit3A_543 = arith.constant 1.000000e+00 : f32
      %jit3A_544 = arith.constant 0.000000e+00 : f32
      %broadcast_in_dim3A_545 = vector.broadcast %jit3A_543 : f32 to vector<16xf32>
      %broadcast_in_dim3A_546 = vector.broadcast %jit3A_544 : f32 to vector<16xf32>
      %select_n3A_547 = arith.select %lt3A_533, %broadcast_in_dim3A_545, %broadcast_in_dim3A_546 : vector<16xi1>, vector<16xf32>
      %mul3A_548 = arith.mulf %gather3A_529, %select_n3A_547 : vector<16xf32>
      %div3A_549 = arith.divf %mul3A_548, %add3A_542 : vector<16xf32>
      %mul3A_550 = arith.constant 16 : i32
      %mul3A_551 = arith.muli %mul3A_550, %scan3A_523 : i32
      %swap3A_552 = arith.index_cast %mul3A_551 : i32 to index
      %swap3A_553 = tpu.vector_load %arg11[%swap3A_552] {strides = array<i32>} : memref<2048xi32, #tpu.memory_space<vmem>>, vector<16xi32>,
      tpu.vector_store %arg11[%swap3A_552], %gather3A_528 {strides = array<i32>} : memref<2048xi32, #tpu.memory_space<vmem>>, vector<16xi32>,
      %swap3A_554 = arith.index_cast %mul3A_551 : i32 to index
      %swap3A_555 = tpu.vector_load %arg12[%swap3A_554] {strides = array<i32>} : memref<2048xf32, #tpu.memory_space<vmem>>, vector<16xf32>,
      tpu.vector_store %arg12[%swap3A_554], %select_n3A_547 {strides = array<i32>} : memref<2048xf32, #tpu.memory_space<vmem>>, vector<16xf32>,
      %swap3A_556 = arith.index_cast %mul3A_551 : i32 to index
      %swap3A_557 = tpu.vector_load %arg13[%swap3A_556] {strides = array<i32>} : memref<2048xf32, #tpu.memory_space<vmem>>, vector<16xf32>,
      tpu.vector_store %arg13[%swap3A_556], %div3A_549 {strides = array<i32>} : memref<2048xf32, #tpu.memory_space<vmem>>, vector<16xf32>,
      %scan3A_558 = arith.constant 6 : i32
      %scan3A_559 = arith.addi %scan3A_347, %scan3A_558 : i32
      %mul3A_560 = arith.constant 2 : i32
      %mul3A_561 = arith.muli %mul3A_560, %scan3A_559 : i32
      %add3A_562 = vector.broadcast %mul3A_561 : i32 to vector<16xi32>
      %add3A_563 = arith.addi %add3A_316, %add3A_562 : vector<16xi32>
      %gather3A_564 = tpu.vector_load_idx %arg8[%add3A_563] : memref<2048xi32, #tpu.memory_space<vmem>>[vector<16xi32>], vector<16xi32>,
      %gather3A_565 = tpu.vector_load_idx %arg9[%add3A_563] : memref<2048xf32, #tpu.memory_space<vmem>>[vector<16xi32>], vector<16xf32>,
      %gather3A_566 = tpu.vector_load_idx %arg10[%gather3A_564] masked %lt3A_319 : memref<64xi32, #tpu.memory_space<vmem>>[vector<16xi32>], vector<16xi32>, vector<16xi1>
      tpu.vector_store_idx %arg10[%gather3A_564], %broadcast_in_dim3A_321 masked %lt3A_319 {add = true} : memref<64xi32, #tpu.memory_space<vmem>>[vector<16xi32>], vector<16xi32>, vector<16xi1>
      %gather3A_567 = tpu.vector_load_idx %arg10[%gather3A_564] masked %not3A_320 : memref<64xi32, #tpu.memory_space<vmem>>[vector<16xi32>], vector<16xi32>, vector<16xi1>
      tpu.vector_store_idx %arg10[%gather3A_564], %broadcast_in_dim3A_321 masked %not3A_320 {add = true} : memref<64xi32, #tpu.memory_space<vmem>>[vector<16xi32>], vector<16xi32>, vector<16xi1>
      %select_n3A_568 = arith.select %lt3A_319, %gather3A_566, %gather3A_567 : vector<16xi1>, vector<16xi32>
      %lt3A_569 = arith.cmpi slt, %select_n3A_568, %broadcast_in_dim3A_323 : vector<16xi32>
      %and3A_570 = arith.andi %lt3A_569, %lt3A_319 : vector<16xi1>
      %all_reduce_population_count3A_571 = tpu.all_reduce %and3A_570 {dim = 0 : i64, kind = #tpu.reduction_kind<sum>} : vector<16xi1> -> vector<16xi32>
      %all_reduce_population_count3A_572 = tpu.all_reduce %lt3A_569 {dim = 0 : i64, kind = #tpu.reduction_kind<sum>} : vector<16xi1> -> vector<16xi32>
      %sub3A_573 = arith.subi %all_reduce_population_count3A_572, %all_reduce_population_count3A_571 : vector<16xi32>
      %select_n3A_574 = arith.select %lt3A_319, %all_reduce_population_count3A_571, %sub3A_573 : vector<16xi1>, vector<16xi32>
      %convert_element_type3A_575 = arith.sitofp %select_n3A_574 : vector<16xi32> to vector<16xf32>
      %add3A_576 = arith.constant 1.000000e-10 : f32
      %add3A_577 = vector.broadcast %add3A_576 : f32 to vector<16xf32>
      %add3A_578 = arith.addf %convert_element_type3A_575, %add3A_577 : vector<16xf32>
      %jit3A_579 = arith.constant 1.000000e+00 : f32
      %jit3A_580 = arith.constant 0.000000e+00 : f32
      %broadcast_in_dim3A_581 = vector.broadcast %jit3A_579 : f32 to vector<16xf32>
      %broadcast_in_dim3A_582 = vector.broadcast %jit3A_580 : f32 to vector<16xf32>
      %select_n3A_583 = arith.select %lt3A_569, %broadcast_in_dim3A_581, %broadcast_in_dim3A_582 : vector<16xi1>, vector<16xf32>
      %mul3A_584 = arith.mulf %gather3A_565, %select_n3A_583 : vector<16xf32>
      %div3A_585 = arith.divf %mul3A_584, %add3A_578 : vector<16xf32>
      %mul3A_586 = arith.constant 16 : i32
      %mul3A_587 = arith.muli %mul3A_586, %scan3A_559 : i32
      %swap3A_588 = arith.index_cast %mul3A_587 : i32 to index
      %swap3A_589 = tpu.vector_load %arg11[%swap3A_588] {strides = array<i32>} : memref<2048xi32, #tpu.memory_space<vmem>>, vector<16xi32>,
      tpu.vector_store %arg11[%swap3A_588], %gather3A_564 {strides = array<i32>} : memref<2048xi32, #tpu.memory_space<vmem>>, vector<16xi32>,
      %swap3A_590 = arith.index_cast %mul3A_587 : i32 to index
      %swap3A_591 = tpu.vector_load %arg12[%swap3A_590] {strides = array<i32>} : memref<2048xf32, #tpu.memory_space<vmem>>, vector<16xf32>,
      tpu.vector_store %arg12[%swap3A_590], %select_n3A_583 {strides = array<i32>} : memref<2048xf32, #tpu.memory_space<vmem>>, vector<16xf32>,
      %swap3A_592 = arith.index_cast %mul3A_587 : i32 to index
      %swap3A_593 = tpu.vector_load %arg13[%swap3A_592] {strides = array<i32>} : memref<2048xf32, #tpu.memory_space<vmem>>, vector<16xf32>,
      tpu.vector_store %arg13[%swap3A_592], %div3A_585 {strides = array<i32>} : memref<2048xf32, #tpu.memory_space<vmem>>, vector<16xf32>,
      %scan3A_594 = arith.constant 7 : i32
      %scan3A_595 = arith.addi %scan3A_347, %scan3A_594 : i32
      %mul3A_596 = arith.constant 2 : i32
      %mul3A_597 = arith.muli %mul3A_596, %scan3A_595 : i32
      %add3A_598 = vector.broadcast %mul3A_597 : i32 to vector<16xi32>
      %add3A_599 = arith.addi %add3A_316, %add3A_598 : vector<16xi32>
      %gather3A_600 = tpu.vector_load_idx %arg8[%add3A_599] : memref<2048xi32, #tpu.memory_space<vmem>>[vector<16xi32>], vector<16xi32>,
      %gather3A_601 = tpu.vector_load_idx %arg9[%add3A_599] : memref<2048xf32, #tpu.memory_space<vmem>>[vector<16xi32>], vector<16xf32>,
      %gather3A_602 = tpu.vector_load_idx %arg10[%gather3A_600] masked %lt3A_319 : memref<64xi32, #tpu.memory_space<vmem>>[vector<16xi32>], vector<16xi32>, vector<16xi1>
      tpu.vector_store_idx %arg10[%gather3A_600], %broadcast_in_dim3A_321 masked %lt3A_319 {add = true} : memref<64xi32, #tpu.memory_space<vmem>>[vector<16xi32>], vector<16xi32>, vector<16xi1>
      %gather3A_603 = tpu.vector_load_idx %arg10[%gather3A_600] masked %not3A_320 : memref<64xi32, #tpu.memory_space<vmem>>[vector<16xi32>], vector<16xi32>, vector<16xi1>
      tpu.vector_store_idx %arg10[%gather3A_600], %broadcast_in_dim3A_321 masked %not3A_320 {add = true} : memref<64xi32, #tpu.memory_space<vmem>>[vector<16xi32>], vector<16xi32>, vector<16xi1>
      %select_n3A_604 = arith.select %lt3A_319, %gather3A_602, %gather3A_603 : vector<16xi1>, vector<16xi32>
      %lt3A_605 = arith.cmpi slt, %select_n3A_604, %broadcast_in_dim3A_323 : vector<16xi32>
      %and3A_606 = arith.andi %lt3A_605, %lt3A_319 : vector<16xi1>
      %all_reduce_population_count3A_607 = tpu.all_reduce %and3A_606 {dim = 0 : i64, kind = #tpu.reduction_kind<sum>} : vector<16xi1> -> vector<16xi32>
      %all_reduce_population_count3A_608 = tpu.all_reduce %lt3A_605 {dim = 0 : i64, kind = #tpu.reduction_kind<sum>} : vector<16xi1> -> vector<16xi32>
      %sub3A_609 = arith.subi %all_reduce_population_count3A_608, %all_reduce_population_count3A_607 : vector<16xi32>
      %select_n3A_610 = arith.select %lt3A_319, %all_reduce_population_count3A_607, %sub3A_609 : vector<16xi1>, vector<16xi32>
      %convert_element_type3A_611 = arith.sitofp %select_n3A_610 : vector<16xi32> to vector<16xf32>
      %add3A_612 = arith.constant 1.000000e-10 : f32
      %add3A_613 = vector.broadcast %add3A_612 : f32 to vector<16xf32>
      %add3A_614 = arith.addf %convert_element_type3A_611, %add3A_613 : vector<16xf32>
      %jit3A_615 = arith.constant 1.000000e+00 : f32
      %jit3A_616 = arith.constant 0.000000e+00 : f32
      %broadcast_in_dim3A_617 = vector.broadcast %jit3A_615 : f32 to vector<16xf32>
      %broadcast_in_dim3A_618 = vector.broadcast %jit3A_616 : f32 to vector<16xf32>
      %select_n3A_619 = arith.select %lt3A_605, %broadcast_in_dim3A_617, %broadcast_in_dim3A_618 : vector<16xi1>, vector<16xf32>
      %mul3A_620 = arith.mulf %gather3A_601, %select_n3A_619 : vector<16xf32>
      %div3A_621 = arith.divf %mul3A_620, %add3A_614 : vector<16xf32>
      %mul3A_622 = arith.constant 16 : i32
      %mul3A_623 = arith.muli %mul3A_622, %scan3A_595 : i32
      %swap3A_624 = arith.index_cast %mul3A_623 : i32 to index
      %swap3A_625 = tpu.vector_load %arg11[%swap3A_624] {strides = array<i32>} : memref<2048xi32, #tpu.memory_space<vmem>>, vector<16xi32>,
      tpu.vector_store %arg11[%swap3A_624], %gather3A_600 {strides = array<i32>} : memref<2048xi32, #tpu.memory_space<vmem>>, vector<16xi32>,
      %swap3A_626 = arith.index_cast %mul3A_623 : i32 to index
      %swap3A_627 = tpu.vector_load %arg12[%swap3A_626] {strides = array<i32>} : memref<2048xf32, #tpu.memory_space<vmem>>, vector<16xf32>,
      tpu.vector_store %arg12[%swap3A_626], %select_n3A_619 {strides = array<i32>} : memref<2048xf32, #tpu.memory_space<vmem>>, vector<16xf32>,
      %swap3A_628 = arith.index_cast %mul3A_623 : i32 to index
      %swap3A_629 = tpu.vector_load %arg13[%swap3A_628] {strides = array<i32>} : memref<2048xf32, #tpu.memory_space<vmem>>, vector<16xf32>,
      tpu.vector_store %arg13[%swap3A_628], %div3A_621 {strides = array<i32>} : memref<2048xf32, #tpu.memory_space<vmem>>, vector<16xf32>,
    }
    %scan3A_328 = arith.constant 128 : i32
    %mul3A_329 = arith.constant 8 : i32
    %mul3A_330 = arith.muli %mul3A_2, %mul3A_329 : i32
    %mul3A_331 = arith.constant 8 : i32
    %mul3A_332 = arith.muli %mul3A_2, %mul3A_331 : i32
    %mul3A_333 = arith.constant 8 : i32
    %mul3A_334 = arith.muli %mul3A_2, %mul3A_333 : i32
    %dma_start3A_335 = tpu.memref_slice %arg5[%mul3A_330] : memref<65536xi32, #tpu.memory_space<hbm>> -> memref<2048xi32, #tpu.memory_space<hbm>>
    %dma_start3A_336 = tpu.memref_slice %arg5[%mul3A_330] : memref<65536xi32, #tpu.memory_space<hbm>> -> memref<2048xi32, #tpu.memory_space<hbm>>
    tpu.enqueue_dma source(%arg11 : memref<2048xi32, #tpu.memory_space<vmem>>) target(%dma_start3A_336 : memref<2048xi32, #tpu.memory_space<hbm>>) target_semaphore(%arg14 : memref<!tpu.dma_semaphore, #tpu.memory_space<semaphore_mem>>)
    %dma_start3A_337 = tpu.memref_slice %arg6[%mul3A_332] : memref<65536xf32, #tpu.memory_space<hbm>> -> memref<2048xf32, #tpu.memory_space<hbm>>
    %dma_start3A_338 = tpu.memref_slice %arg6[%mul3A_332] : memref<65536xf32, #tpu.memory_space<hbm>> -> memref<2048xf32, #tpu.memory_space<hbm>>
    tpu.enqueue_dma source(%arg12 : memref<2048xf32, #tpu.memory_space<vmem>>) target(%dma_start3A_338 : memref<2048xf32, #tpu.memory_space<hbm>>) target_semaphore(%arg14 : memref<!tpu.dma_semaphore, #tpu.memory_space<semaphore_mem>>)
    %dma_start3A_339 = tpu.memref_slice %arg7[%mul3A_334] : memref<65536xf32, #tpu.memory_space<hbm>> -> memref<2048xf32, #tpu.memory_space<hbm>>
    %dma_start3A_340 = tpu.memref_slice %arg7[%mul3A_334] : memref<65536xf32, #tpu.memory_space<hbm>> -> memref<2048xf32, #tpu.memory_space<hbm>>
    tpu.enqueue_dma source(%arg13 : memref<2048xf32, #tpu.memory_space<vmem>>) target(%dma_start3A_340 : memref<2048xf32, #tpu.memory_space<hbm>>) target_semaphore(%arg14 : memref<!tpu.dma_semaphore, #tpu.memory_space<semaphore_mem>>)
    %dma_wait3A_341 = tpu.memref_slice %arg5[%mul3A_330] : memref<65536xi32, #tpu.memory_space<hbm>> -> memref<2048xi32, #tpu.memory_space<hbm>>
    %dma_wait3A_342 = tpu.memref_slice %arg5[%mul3A_330] : memref<65536xi32, #tpu.memory_space<hbm>> -> memref<2048xi32, #tpu.memory_space<hbm>>
    tpu.wait_dma2 semaphore(%arg14 : memref<!tpu.dma_semaphore, #tpu.memory_space<semaphore_mem>>) src(%arg11 : memref<2048xi32, #tpu.memory_space<vmem>>) dst(%dma_wait3A_342 : memref<2048xi32, #tpu.memory_space<hbm>>)
    %dma_wait3A_343 = tpu.memref_slice %arg6[%mul3A_332] : memref<65536xf32, #tpu.memory_space<hbm>> -> memref<2048xf32, #tpu.memory_space<hbm>>
    %dma_wait3A_344 = tpu.memref_slice %arg6[%mul3A_332] : memref<65536xf32, #tpu.memory_space<hbm>> -> memref<2048xf32, #tpu.memory_space<hbm>>
    tpu.wait_dma2 semaphore(%arg14 : memref<!tpu.dma_semaphore, #tpu.memory_space<semaphore_mem>>) src(%arg12 : memref<2048xf32, #tpu.memory_space<vmem>>) dst(%dma_wait3A_344 : memref<2048xf32, #tpu.memory_space<hbm>>)
    %dma_wait3A_345 = tpu.memref_slice %arg7[%mul3A_334] : memref<65536xf32, #tpu.memory_space<hbm>> -> memref<2048xf32, #tpu.memory_space<hbm>>
    %dma_wait3A_346 = tpu.memref_slice %arg7[%mul3A_334] : memref<65536xf32, #tpu.memory_space<hbm>> -> memref<2048xf32, #tpu.memory_space<hbm>>
    tpu.wait_dma2 semaphore(%arg14 : memref<!tpu.dma_semaphore, #tpu.memory_space<semaphore_mem>>) src(%arg13 : memref<2048xf32, #tpu.memory_space<vmem>>) dst(%dma_wait3A_346 : memref<2048xf32, #tpu.memory_space<hbm>>)
    return
  }
}

module attributes {stable_mosaic.version = 14 : i64} {
  func.func @_gate_kernel(%arg0: i32, %arg1: memref<512x4096xf32, #tpu.memory_space<vmem>>, %arg2: memref<64x4096xf32, #tpu.memory_space<vmem>>, %arg3: memref<512x8xf32, #tpu.memory_space<vmem>>, %arg4: memref<32x128xi32, #tpu.memory_space<vmem>>, %arg5: memref<32x128xf32, #tpu.memory_space<vmem>>, %arg6: memref<1x1x128xi32, #tpu.memory_space<vmem>>, %arg7: memref<64x1xf32, #tpu.memory_space<vmem>>, %arg8: memref<64x1xf32, #tpu.memory_space<vmem>>, %arg9: memref<1x1xf32, #tpu.memory_space<vmem>>, %arg10: memref<1x1xf32, #tpu.memory_space<vmem>>, %arg11: memref<64x1xi32, #tpu.memory_space<vmem>>, %arg12: memref<1x1xf32, #tpu.memory_space<vmem>>, %arg13: memref<8x512xi32, #tpu.memory_space<vmem>>, %arg14: memref<8x512xf32, #tpu.memory_space<vmem>>, %arg15: memref<64x1xf32, #tpu.memory_space<vmem>>, %arg16: memref<64x1xf32, #tpu.memory_space<vmem>>, %arg17: memref<1x1xf32, #tpu.memory_space<vmem>>) attributes {dimension_semantics = [#tpu.dimension_semantics<arbitrary>], iteration_bounds = array<i64: 16>, scalar_prefetch = 0 : i64, scratch_operands = 5 : i64, tpu.core_type = #tpu.core_type<tc>, window_params = [{transform_indices = @transform_0, window_bounds = array<i64: 512, 4096>}, {pipeline_mode = #tpu.pipeline_mode<synchronous>, transform_indices = @transform_1, window_bounds = array<i64: 64, 4096>}, {pipeline_mode = #tpu.pipeline_mode<synchronous>, transform_indices = @transform_2, window_bounds = array<i64: 512, 8>}, {transform_indices = @transform_3, window_bounds = array<i64: 32, 128>}, {transform_indices = @transform_4, window_bounds = array<i64: 32, 128>}, {transform_indices = @transform_5, window_bounds = array<i64: 1, 1, 128>}, {pipeline_mode = #tpu.pipeline_mode<synchronous>, transform_indices = @transform_6, window_bounds = array<i64: 64, 1>}, {pipeline_mode = #tpu.pipeline_mode<synchronous>, transform_indices = @transform_7, window_bounds = array<i64: 64, 1>}, {pipeline_mode = #tpu.pipeline_mode<synchronous>, transform_indices = @transform_8, window_bounds = array<i64: 1, 1>}, {pipeline_mode = #tpu.pipeline_mode<synchronous>, transform_indices = @transform_9, window_bounds = array<i64: 1, 1>}, {pipeline_mode = #tpu.pipeline_mode<synchronous>, transform_indices = @transform_10, window_bounds = array<i64: 64, 1>}, {pipeline_mode = #tpu.pipeline_mode<synchronous>, transform_indices = @transform_11, window_bounds = array<i64: 1, 1>}]} {
    %eq3A = arith.constant 0 : i32
    %eq3A_0 = arith.cmpi eq, %arg0, %eq3A : i32
    %convert_element_type3A = arith.extui %eq3A_0 : i1 to i32
    %cond3A = arith.constant 0 : i32
    %cond3A_1 = arith.cmpi ne, %convert_element_type3A, %cond3A : i32
    scf.if %cond3A_1 {
      %broadcast_in_dim3A_724 = arith.constant 0.000000e+00 : f32
      %broadcast_in_dim3A_725 = vector.broadcast %broadcast_in_dim3A_724 : f32 to vector<64x1xf32>
      %swap3A_726 = arith.constant 0 : index
      %swap3A_727 = arith.constant 0 : index
      %swap3A_728 = vector.load %arg15[%swap3A_726, %swap3A_727] : memref<64x1xf32, #tpu.memory_space<vmem>>, vector<64x1xf32>
      tpu.vector_store %arg15[%swap3A_726, %swap3A_727], %broadcast_in_dim3A_725 {strides = array<i32>} : memref<64x1xf32, #tpu.memory_space<vmem>>, vector<64x1xf32>,
      %broadcast_in_dim3A_729 = arith.constant 0.000000e+00 : f32
      %broadcast_in_dim3A_730 = vector.broadcast %broadcast_in_dim3A_729 : f32 to vector<64x1xf32>
      %swap3A_731 = arith.constant 0 : index
      %swap3A_732 = arith.constant 0 : index
      %swap3A_733 = vector.load %arg16[%swap3A_731, %swap3A_732] : memref<64x1xf32, #tpu.memory_space<vmem>>, vector<64x1xf32>
      tpu.vector_store %arg16[%swap3A_731, %swap3A_732], %broadcast_in_dim3A_730 {strides = array<i32>} : memref<64x1xf32, #tpu.memory_space<vmem>>, vector<64x1xf32>,
      %broadcast_in_dim3A_734 = arith.constant 0.000000e+00 : f32
      %broadcast_in_dim3A_735 = vector.broadcast %broadcast_in_dim3A_734 : f32 to vector<1x1xf32>
      %swap3A_736 = arith.constant 0 : index
      %swap3A_737 = arith.constant 0 : index
      %swap3A_738 = vector.load %arg17[%swap3A_736, %swap3A_737] : memref<1x1xf32, #tpu.memory_space<vmem>>, vector<1x1xf32>
      tpu.vector_store %arg17[%swap3A_736, %swap3A_737], %broadcast_in_dim3A_735 {strides = array<i32>} : memref<1x1xf32, #tpu.memory_space<vmem>>, vector<1x1xf32>,
    } else {
    }
    %get3A = arith.constant 0 : index
    %get3A_2 = arith.constant 0 : index
    %get3A_3 = vector.load %arg2[%get3A, %get3A_2] : memref<64x4096xf32, #tpu.memory_space<vmem>>, vector<64x4096xf32>
    %get3A_4 = arith.constant 0 : index
    %get3A_5 = arith.constant 0 : index
    %get3A_6 = vector.load %arg1[%get3A_4, %get3A_5] : memref<512x4096xf32, #tpu.memory_space<vmem>>, vector<512x4096xf32>
    %dot_general3A = arith.constant dense<0.000000e+00> : vector<64x512xf32>
    %dot_general3A_7 = tpu.matmul %get3A_3, %get3A_6, %dot_general3A {dimension_numbers = #tpu.dot_dimension_numbers<[1], [1], [0], [0], [0, 0, 1, 0], [], []>, transpose_lhs_hint = false} : vector<64x4096xf32>, vector<512x4096xf32>, vector<64x512xf32> -> vector<64x512xf32>
    %reduce_max3A = arith.constant dense<0xFF800000> : vector<512xf32>
    %reduce_max3A_8 = vector.multi_reduction <maximumf>, %dot_general3A_7, %reduce_max3A [0] : vector<64x512xf32> to vector<512xf32>
    %broadcast_in_dim3A = vector.shape_cast %reduce_max3A_8 : vector<512xf32> to vector<1x512xf32>
    %sub3A = vector.broadcast %broadcast_in_dim3A : vector<1x512xf32> to vector<64x512xf32>
    %sub3A_9 = arith.subf %dot_general3A_7, %sub3A : vector<64x512xf32>
    %exp3A = math.exp %sub3A_9 : vector<64x512xf32>
    %reduce_sum3A = arith.constant dense<0.000000e+00> : vector<512xf32>
    %reduce_sum3A_10 = vector.multi_reduction <add>, %exp3A, %reduce_sum3A [0] : vector<64x512xf32> to vector<512xf32>
    %broadcast_in_dim3A_11 = vector.shape_cast %reduce_sum3A_10 : vector<512xf32> to vector<1x512xf32>
    %div3A = vector.broadcast %broadcast_in_dim3A_11 : vector<1x512xf32> to vector<64x512xf32>
    %div3A_12 = arith.divf %exp3A, %div3A : vector<64x512xf32>
    %iota3A = tpu.iota {dimensions = array<i32: 0>} : vector<64x512xi32>
    %broadcast_in_dim3A_13 = arith.constant false
    %broadcast_in_dim3A_14 = vector.broadcast %broadcast_in_dim3A_13 : i1 to vector<64x512xi1>
    %reduce_max3A_15 = arith.constant dense<0xFF800000> : vector<512xf32>
    %reduce_max3A_16 = vector.multi_reduction <maximumf>, %div3A_12, %reduce_max3A_15 [0] : vector<64x512xf32> to vector<512xf32>
    %broadcast_in_dim3A_17 = vector.shape_cast %reduce_max3A_16 : vector<512xf32> to vector<1x512xf32>
    %eq3A_18 = vector.broadcast %broadcast_in_dim3A_17 : vector<1x512xf32> to vector<64x512xf32>
    %eq3A_19 = arith.cmpf oeq, %div3A_12, %eq3A_18 : vector<64x512xf32>
    %jit3A = arith.constant 64 : i32
    %broadcast_in_dim3A_20 = vector.broadcast %jit3A : i32 to vector<64x512xi32>
    %select_n3A = arith.select %eq3A_19, %iota3A, %broadcast_in_dim3A_20 : vector<64x512xi1>, vector<64x512xi32>
    %reduce_min3A = arith.constant dense<2147483647> : vector<512xi32>
    %reduce_min3A_21 = vector.multi_reduction <minsi>, %select_n3A, %reduce_min3A [0] : vector<64x512xi32> to vector<512xi32>
    %broadcast_in_dim3A_22 = vector.shape_cast %reduce_min3A_21 : vector<512xi32> to vector<1x512xi32>
    %eq3A_23 = vector.broadcast %broadcast_in_dim3A_22 : vector<1x512xi32> to vector<64x512xi32>
    %eq3A_24 = arith.cmpi eq, %iota3A, %eq3A_23 : vector<64x512xi32>
    %swap3A = arith.constant 0 : index
    %swap3A_25 = arith.constant 0 : index
    %swap3A_26 = vector.load %arg13[%swap3A, %swap3A_25] : memref<8x512xi32, #tpu.memory_space<vmem>>, vector<1x512xi32>
    tpu.vector_store %arg13[%swap3A, %swap3A_25], %broadcast_in_dim3A_22 {strides = array<i32>} : memref<8x512xi32, #tpu.memory_space<vmem>>, vector<1x512xi32>,
    %swap3A_27 = arith.constant 0 : index
    %swap3A_28 = arith.constant 0 : index
    %swap3A_29 = vector.load %arg14[%swap3A_27, %swap3A_28] : memref<8x512xf32, #tpu.memory_space<vmem>>, vector<1x512xf32>
    tpu.vector_store %arg14[%swap3A_27, %swap3A_28], %broadcast_in_dim3A_17 {strides = array<i32>} : memref<8x512xf32, #tpu.memory_space<vmem>>, vector<1x512xf32>,
    %or3A = arith.ori %broadcast_in_dim3A_14, %eq3A_24 : vector<64x512xi1>
    %jit3A_30 = arith.constant 0xFF800000 : f32
    %broadcast_in_dim3A_31 = vector.broadcast %jit3A_30 : f32 to vector<64x512xf32>
    %select_n3A_32 = arith.select %eq3A_24, %broadcast_in_dim3A_31, %div3A_12 : vector<64x512xi1>, vector<64x512xf32>
    %reduce_max3A_33 = arith.constant dense<0xFF800000> : vector<512xf32>
    %reduce_max3A_34 = vector.multi_reduction <maximumf>, %select_n3A_32, %reduce_max3A_33 [0] : vector<64x512xf32> to vector<512xf32>
    %broadcast_in_dim3A_35 = vector.shape_cast %reduce_max3A_34 : vector<512xf32> to vector<1x512xf32>
    %eq3A_36 = vector.broadcast %broadcast_in_dim3A_35 : vector<1x512xf32> to vector<64x512xf32>
    %eq3A_37 = arith.cmpf oeq, %select_n3A_32, %eq3A_36 : vector<64x512xf32>
    %jit3A_38 = arith.constant 64 : i32
    %broadcast_in_dim3A_39 = vector.broadcast %jit3A_38 : i32 to vector<64x512xi32>
    %select_n3A_40 = arith.select %eq3A_37, %iota3A, %broadcast_in_dim3A_39 : vector<64x512xi1>, vector<64x512xi32>
    %reduce_min3A_41 = arith.constant dense<2147483647> : vector<512xi32>
    %reduce_min3A_42 = vector.multi_reduction <minsi>, %select_n3A_40, %reduce_min3A_41 [0] : vector<64x512xi32> to vector<512xi32>
    %broadcast_in_dim3A_43 = vector.shape_cast %reduce_min3A_42 : vector<512xi32> to vector<1x512xi32>
    %eq3A_44 = vector.broadcast %broadcast_in_dim3A_43 : vector<1x512xi32> to vector<64x512xi32>
    %eq3A_45 = arith.cmpi eq, %iota3A, %eq3A_44 : vector<64x512xi32>
    %swap3A_46 = arith.constant 1 : index
    %swap3A_47 = arith.constant 0 : index
    %swap3A_48 = vector.load %arg13[%swap3A_46, %swap3A_47] : memref<8x512xi32, #tpu.memory_space<vmem>>, vector<1x512xi32>
    tpu.vector_store %arg13[%swap3A_46, %swap3A_47], %broadcast_in_dim3A_43 {strides = array<i32>} : memref<8x512xi32, #tpu.memory_space<vmem>>, vector<1x512xi32>,
    %swap3A_49 = arith.constant 1 : index
    %swap3A_50 = arith.constant 0 : index
    %swap3A_51 = vector.load %arg14[%swap3A_49, %swap3A_50] : memref<8x512xf32, #tpu.memory_space<vmem>>, vector<1x512xf32>
    tpu.vector_store %arg14[%swap3A_49, %swap3A_50], %broadcast_in_dim3A_35 {strides = array<i32>} : memref<8x512xf32, #tpu.memory_space<vmem>>, vector<1x512xf32>,
    %or3A_52 = arith.ori %or3A, %eq3A_45 : vector<64x512xi1>
    %jit3A_53 = arith.constant 0xFF800000 : f32
    %broadcast_in_dim3A_54 = vector.broadcast %jit3A_53 : f32 to vector<64x512xf32>
    %select_n3A_55 = arith.select %eq3A_45, %broadcast_in_dim3A_54, %select_n3A_32 : vector<64x512xi1>, vector<64x512xf32>
    %reduce_max3A_56 = arith.constant dense<0xFF800000> : vector<512xf32>
    %reduce_max3A_57 = vector.multi_reduction <maximumf>, %select_n3A_55, %reduce_max3A_56 [0] : vector<64x512xf32> to vector<512xf32>
    %broadcast_in_dim3A_58 = vector.shape_cast %reduce_max3A_57 : vector<512xf32> to vector<1x512xf32>
    %eq3A_59 = vector.broadcast %broadcast_in_dim3A_58 : vector<1x512xf32> to vector<64x512xf32>
    %eq3A_60 = arith.cmpf oeq, %select_n3A_55, %eq3A_59 : vector<64x512xf32>
    %jit3A_61 = arith.constant 64 : i32
    %broadcast_in_dim3A_62 = vector.broadcast %jit3A_61 : i32 to vector<64x512xi32>
    %select_n3A_63 = arith.select %eq3A_60, %iota3A, %broadcast_in_dim3A_62 : vector<64x512xi1>, vector<64x512xi32>
    %reduce_min3A_64 = arith.constant dense<2147483647> : vector<512xi32>
    %reduce_min3A_65 = vector.multi_reduction <minsi>, %select_n3A_63, %reduce_min3A_64 [0] : vector<64x512xi32> to vector<512xi32>
    %broadcast_in_dim3A_66 = vector.shape_cast %reduce_min3A_65 : vector<512xi32> to vector<1x512xi32>
    %eq3A_67 = vector.broadcast %broadcast_in_dim3A_66 : vector<1x512xi32> to vector<64x512xi32>
    %eq3A_68 = arith.cmpi eq, %iota3A, %eq3A_67 : vector<64x512xi32>
    %swap3A_69 = arith.constant 2 : index
    %swap3A_70 = arith.constant 0 : index
    %swap3A_71 = vector.load %arg13[%swap3A_69, %swap3A_70] : memref<8x512xi32, #tpu.memory_space<vmem>>, vector<1x512xi32>
    tpu.vector_store %arg13[%swap3A_69, %swap3A_70], %broadcast_in_dim3A_66 {strides = array<i32>} : memref<8x512xi32, #tpu.memory_space<vmem>>, vector<1x512xi32>,
    %swap3A_72 = arith.constant 2 : index
    %swap3A_73 = arith.constant 0 : index
    %swap3A_74 = vector.load %arg14[%swap3A_72, %swap3A_73] : memref<8x512xf32, #tpu.memory_space<vmem>>, vector<1x512xf32>
    tpu.vector_store %arg14[%swap3A_72, %swap3A_73], %broadcast_in_dim3A_58 {strides = array<i32>} : memref<8x512xf32, #tpu.memory_space<vmem>>, vector<1x512xf32>,
    %or3A_75 = arith.ori %or3A_52, %eq3A_68 : vector<64x512xi1>
    %jit3A_76 = arith.constant 0xFF800000 : f32
    %broadcast_in_dim3A_77 = vector.broadcast %jit3A_76 : f32 to vector<64x512xf32>
    %select_n3A_78 = arith.select %eq3A_68, %broadcast_in_dim3A_77, %select_n3A_55 : vector<64x512xi1>, vector<64x512xf32>
    %reduce_max3A_79 = arith.constant dense<0xFF800000> : vector<512xf32>
    %reduce_max3A_80 = vector.multi_reduction <maximumf>, %select_n3A_78, %reduce_max3A_79 [0] : vector<64x512xf32> to vector<512xf32>
    %broadcast_in_dim3A_81 = vector.shape_cast %reduce_max3A_80 : vector<512xf32> to vector<1x512xf32>
    %eq3A_82 = vector.broadcast %broadcast_in_dim3A_81 : vector<1x512xf32> to vector<64x512xf32>
    %eq3A_83 = arith.cmpf oeq, %select_n3A_78, %eq3A_82 : vector<64x512xf32>
    %jit3A_84 = arith.constant 64 : i32
    %broadcast_in_dim3A_85 = vector.broadcast %jit3A_84 : i32 to vector<64x512xi32>
    %select_n3A_86 = arith.select %eq3A_83, %iota3A, %broadcast_in_dim3A_85 : vector<64x512xi1>, vector<64x512xi32>
    %reduce_min3A_87 = arith.constant dense<2147483647> : vector<512xi32>
    %reduce_min3A_88 = vector.multi_reduction <minsi>, %select_n3A_86, %reduce_min3A_87 [0] : vector<64x512xi32> to vector<512xi32>
    %broadcast_in_dim3A_89 = vector.shape_cast %reduce_min3A_88 : vector<512xi32> to vector<1x512xi32>
    %eq3A_90 = vector.broadcast %broadcast_in_dim3A_89 : vector<1x512xi32> to vector<64x512xi32>
    %eq3A_91 = arith.cmpi eq, %iota3A, %eq3A_90 : vector<64x512xi32>
    %swap3A_92 = arith.constant 3 : index
    %swap3A_93 = arith.constant 0 : index
    %swap3A_94 = vector.load %arg13[%swap3A_92, %swap3A_93] : memref<8x512xi32, #tpu.memory_space<vmem>>, vector<1x512xi32>
    tpu.vector_store %arg13[%swap3A_92, %swap3A_93], %broadcast_in_dim3A_89 {strides = array<i32>} : memref<8x512xi32, #tpu.memory_space<vmem>>, vector<1x512xi32>,
    %swap3A_95 = arith.constant 3 : index
    %swap3A_96 = arith.constant 0 : index
    %swap3A_97 = vector.load %arg14[%swap3A_95, %swap3A_96] : memref<8x512xf32, #tpu.memory_space<vmem>>, vector<1x512xf32>
    tpu.vector_store %arg14[%swap3A_95, %swap3A_96], %broadcast_in_dim3A_81 {strides = array<i32>} : memref<8x512xf32, #tpu.memory_space<vmem>>, vector<1x512xf32>,
    %or3A_98 = arith.ori %or3A_75, %eq3A_91 : vector<64x512xi1>
    %jit3A_99 = arith.constant 0xFF800000 : f32
    %broadcast_in_dim3A_100 = vector.broadcast %jit3A_99 : f32 to vector<64x512xf32>
    %select_n3A_101 = arith.select %eq3A_91, %broadcast_in_dim3A_100, %select_n3A_78 : vector<64x512xi1>, vector<64x512xf32>
    %reduce_max3A_102 = arith.constant dense<0xFF800000> : vector<512xf32>
    %reduce_max3A_103 = vector.multi_reduction <maximumf>, %select_n3A_101, %reduce_max3A_102 [0] : vector<64x512xf32> to vector<512xf32>
    %broadcast_in_dim3A_104 = vector.shape_cast %reduce_max3A_103 : vector<512xf32> to vector<1x512xf32>
    %eq3A_105 = vector.broadcast %broadcast_in_dim3A_104 : vector<1x512xf32> to vector<64x512xf32>
    %eq3A_106 = arith.cmpf oeq, %select_n3A_101, %eq3A_105 : vector<64x512xf32>
    %jit3A_107 = arith.constant 64 : i32
    %broadcast_in_dim3A_108 = vector.broadcast %jit3A_107 : i32 to vector<64x512xi32>
    %select_n3A_109 = arith.select %eq3A_106, %iota3A, %broadcast_in_dim3A_108 : vector<64x512xi1>, vector<64x512xi32>
    %reduce_min3A_110 = arith.constant dense<2147483647> : vector<512xi32>
    %reduce_min3A_111 = vector.multi_reduction <minsi>, %select_n3A_109, %reduce_min3A_110 [0] : vector<64x512xi32> to vector<512xi32>
    %broadcast_in_dim3A_112 = vector.shape_cast %reduce_min3A_111 : vector<512xi32> to vector<1x512xi32>
    %eq3A_113 = vector.broadcast %broadcast_in_dim3A_112 : vector<1x512xi32> to vector<64x512xi32>
    %eq3A_114 = arith.cmpi eq, %iota3A, %eq3A_113 : vector<64x512xi32>
    %swap3A_115 = arith.constant 4 : index
    %swap3A_116 = arith.constant 0 : index
    %swap3A_117 = vector.load %arg13[%swap3A_115, %swap3A_116] : memref<8x512xi32, #tpu.memory_space<vmem>>, vector<1x512xi32>
    tpu.vector_store %arg13[%swap3A_115, %swap3A_116], %broadcast_in_dim3A_112 {strides = array<i32>} : memref<8x512xi32, #tpu.memory_space<vmem>>, vector<1x512xi32>,
    %swap3A_118 = arith.constant 4 : index
    %swap3A_119 = arith.constant 0 : index
    %swap3A_120 = vector.load %arg14[%swap3A_118, %swap3A_119] : memref<8x512xf32, #tpu.memory_space<vmem>>, vector<1x512xf32>
    tpu.vector_store %arg14[%swap3A_118, %swap3A_119], %broadcast_in_dim3A_104 {strides = array<i32>} : memref<8x512xf32, #tpu.memory_space<vmem>>, vector<1x512xf32>,
    %or3A_121 = arith.ori %or3A_98, %eq3A_114 : vector<64x512xi1>
    %jit3A_122 = arith.constant 0xFF800000 : f32
    %broadcast_in_dim3A_123 = vector.broadcast %jit3A_122 : f32 to vector<64x512xf32>
    %select_n3A_124 = arith.select %eq3A_114, %broadcast_in_dim3A_123, %select_n3A_101 : vector<64x512xi1>, vector<64x512xf32>
    %reduce_max3A_125 = arith.constant dense<0xFF800000> : vector<512xf32>
    %reduce_max3A_126 = vector.multi_reduction <maximumf>, %select_n3A_124, %reduce_max3A_125 [0] : vector<64x512xf32> to vector<512xf32>
    %broadcast_in_dim3A_127 = vector.shape_cast %reduce_max3A_126 : vector<512xf32> to vector<1x512xf32>
    %eq3A_128 = vector.broadcast %broadcast_in_dim3A_127 : vector<1x512xf32> to vector<64x512xf32>
    %eq3A_129 = arith.cmpf oeq, %select_n3A_124, %eq3A_128 : vector<64x512xf32>
    %jit3A_130 = arith.constant 64 : i32
    %broadcast_in_dim3A_131 = vector.broadcast %jit3A_130 : i32 to vector<64x512xi32>
    %select_n3A_132 = arith.select %eq3A_129, %iota3A, %broadcast_in_dim3A_131 : vector<64x512xi1>, vector<64x512xi32>
    %reduce_min3A_133 = arith.constant dense<2147483647> : vector<512xi32>
    %reduce_min3A_134 = vector.multi_reduction <minsi>, %select_n3A_132, %reduce_min3A_133 [0] : vector<64x512xi32> to vector<512xi32>
    %broadcast_in_dim3A_135 = vector.shape_cast %reduce_min3A_134 : vector<512xi32> to vector<1x512xi32>
    %eq3A_136 = vector.broadcast %broadcast_in_dim3A_135 : vector<1x512xi32> to vector<64x512xi32>
    %eq3A_137 = arith.cmpi eq, %iota3A, %eq3A_136 : vector<64x512xi32>
    %swap3A_138 = arith.constant 5 : index
    %swap3A_139 = arith.constant 0 : index
    %swap3A_140 = vector.load %arg13[%swap3A_138, %swap3A_139] : memref<8x512xi32, #tpu.memory_space<vmem>>, vector<1x512xi32>
    tpu.vector_store %arg13[%swap3A_138, %swap3A_139], %broadcast_in_dim3A_135 {strides = array<i32>} : memref<8x512xi32, #tpu.memory_space<vmem>>, vector<1x512xi32>,
    %swap3A_141 = arith.constant 5 : index
    %swap3A_142 = arith.constant 0 : index
    %swap3A_143 = vector.load %arg14[%swap3A_141, %swap3A_142] : memref<8x512xf32, #tpu.memory_space<vmem>>, vector<1x512xf32>
    tpu.vector_store %arg14[%swap3A_141, %swap3A_142], %broadcast_in_dim3A_127 {strides = array<i32>} : memref<8x512xf32, #tpu.memory_space<vmem>>, vector<1x512xf32>,
    %or3A_144 = arith.ori %or3A_121, %eq3A_137 : vector<64x512xi1>
    %jit3A_145 = arith.constant 0xFF800000 : f32
    %broadcast_in_dim3A_146 = vector.broadcast %jit3A_145 : f32 to vector<64x512xf32>
    %select_n3A_147 = arith.select %eq3A_137, %broadcast_in_dim3A_146, %select_n3A_124 : vector<64x512xi1>, vector<64x512xf32>
    %reduce_max3A_148 = arith.constant dense<0xFF800000> : vector<512xf32>
    %reduce_max3A_149 = vector.multi_reduction <maximumf>, %select_n3A_147, %reduce_max3A_148 [0] : vector<64x512xf32> to vector<512xf32>
    %broadcast_in_dim3A_150 = vector.shape_cast %reduce_max3A_149 : vector<512xf32> to vector<1x512xf32>
    %eq3A_151 = vector.broadcast %broadcast_in_dim3A_150 : vector<1x512xf32> to vector<64x512xf32>
    %eq3A_152 = arith.cmpf oeq, %select_n3A_147, %eq3A_151 : vector<64x512xf32>
    %jit3A_153 = arith.constant 64 : i32
    %broadcast_in_dim3A_154 = vector.broadcast %jit3A_153 : i32 to vector<64x512xi32>
    %select_n3A_155 = arith.select %eq3A_152, %iota3A, %broadcast_in_dim3A_154 : vector<64x512xi1>, vector<64x512xi32>
    %reduce_min3A_156 = arith.constant dense<2147483647> : vector<512xi32>
    %reduce_min3A_157 = vector.multi_reduction <minsi>, %select_n3A_155, %reduce_min3A_156 [0] : vector<64x512xi32> to vector<512xi32>
    %broadcast_in_dim3A_158 = vector.shape_cast %reduce_min3A_157 : vector<512xi32> to vector<1x512xi32>
    %eq3A_159 = vector.broadcast %broadcast_in_dim3A_158 : vector<1x512xi32> to vector<64x512xi32>
    %eq3A_160 = arith.cmpi eq, %iota3A, %eq3A_159 : vector<64x512xi32>
    %swap3A_161 = arith.constant 6 : index
    %swap3A_162 = arith.constant 0 : index
    %swap3A_163 = vector.load %arg13[%swap3A_161, %swap3A_162] : memref<8x512xi32, #tpu.memory_space<vmem>>, vector<1x512xi32>
    tpu.vector_store %arg13[%swap3A_161, %swap3A_162], %broadcast_in_dim3A_158 {strides = array<i32>} : memref<8x512xi32, #tpu.memory_space<vmem>>, vector<1x512xi32>,
    %swap3A_164 = arith.constant 6 : index
    %swap3A_165 = arith.constant 0 : index
    %swap3A_166 = vector.load %arg14[%swap3A_164, %swap3A_165] : memref<8x512xf32, #tpu.memory_space<vmem>>, vector<1x512xf32>
    tpu.vector_store %arg14[%swap3A_164, %swap3A_165], %broadcast_in_dim3A_150 {strides = array<i32>} : memref<8x512xf32, #tpu.memory_space<vmem>>, vector<1x512xf32>,
    %or3A_167 = arith.ori %or3A_144, %eq3A_160 : vector<64x512xi1>
    %jit3A_168 = arith.constant 0xFF800000 : f32
    %broadcast_in_dim3A_169 = vector.broadcast %jit3A_168 : f32 to vector<64x512xf32>
    %select_n3A_170 = arith.select %eq3A_160, %broadcast_in_dim3A_169, %select_n3A_147 : vector<64x512xi1>, vector<64x512xf32>
    %reduce_max3A_171 = arith.constant dense<0xFF800000> : vector<512xf32>
    %reduce_max3A_172 = vector.multi_reduction <maximumf>, %select_n3A_170, %reduce_max3A_171 [0] : vector<64x512xf32> to vector<512xf32>
    %broadcast_in_dim3A_173 = vector.shape_cast %reduce_max3A_172 : vector<512xf32> to vector<1x512xf32>
    %eq3A_174 = vector.broadcast %broadcast_in_dim3A_173 : vector<1x512xf32> to vector<64x512xf32>
    %eq3A_175 = arith.cmpf oeq, %select_n3A_170, %eq3A_174 : vector<64x512xf32>
    %jit3A_176 = arith.constant 64 : i32
    %broadcast_in_dim3A_177 = vector.broadcast %jit3A_176 : i32 to vector<64x512xi32>
    %select_n3A_178 = arith.select %eq3A_175, %iota3A, %broadcast_in_dim3A_177 : vector<64x512xi1>, vector<64x512xi32>
    %reduce_min3A_179 = arith.constant dense<2147483647> : vector<512xi32>
    %reduce_min3A_180 = vector.multi_reduction <minsi>, %select_n3A_178, %reduce_min3A_179 [0] : vector<64x512xi32> to vector<512xi32>
    %broadcast_in_dim3A_181 = vector.shape_cast %reduce_min3A_180 : vector<512xi32> to vector<1x512xi32>
    %eq3A_182 = vector.broadcast %broadcast_in_dim3A_181 : vector<1x512xi32> to vector<64x512xi32>
    %eq3A_183 = arith.cmpi eq, %iota3A, %eq3A_182 : vector<64x512xi32>
    %swap3A_184 = arith.constant 7 : index
    %swap3A_185 = arith.constant 0 : index
    %swap3A_186 = vector.load %arg13[%swap3A_184, %swap3A_185] : memref<8x512xi32, #tpu.memory_space<vmem>>, vector<1x512xi32>
    tpu.vector_store %arg13[%swap3A_184, %swap3A_185], %broadcast_in_dim3A_181 {strides = array<i32>} : memref<8x512xi32, #tpu.memory_space<vmem>>, vector<1x512xi32>,
    %swap3A_187 = arith.constant 7 : index
    %swap3A_188 = arith.constant 0 : index
    %swap3A_189 = vector.load %arg14[%swap3A_187, %swap3A_188] : memref<8x512xf32, #tpu.memory_space<vmem>>, vector<1x512xf32>
    tpu.vector_store %arg14[%swap3A_187, %swap3A_188], %broadcast_in_dim3A_173 {strides = array<i32>} : memref<8x512xf32, #tpu.memory_space<vmem>>, vector<1x512xf32>,
    %or3A_190 = arith.ori %or3A_167, %eq3A_183 : vector<64x512xi1>
    %convert_element_type3A_191 = arith.extui %or3A_190 : vector<64x512xi1> to vector<64x512xi32>
    %convert_element_type3A_192 = arith.sitofp %convert_element_type3A_191 : vector<64x512xi32> to vector<64x512xf32>
    %jit3A_193 = arith.constant 0.000000e+00 : f32
    %broadcast_in_dim3A_194 = vector.broadcast %jit3A_193 : f32 to vector<64x512xf32>
    %select_n3A_195 = arith.select %or3A_190, %div3A_12, %broadcast_in_dim3A_194 : vector<64x512xi1>, vector<64x512xf32>
    %reduce_sum3A_196 = arith.constant dense<0.000000e+00> : vector<512xf32>
    %reduce_sum3A_197 = vector.multi_reduction <add>, %select_n3A_195, %reduce_sum3A_196 [0] : vector<64x512xf32> to vector<512xf32>
    %broadcast_in_dim3A_198 = vector.shape_cast %reduce_sum3A_197 : vector<512xf32> to vector<1x512xf32>
    %neg3A = arith.constant 0.000000e+00 : f32
    %neg3A_199 = vector.broadcast %neg3A : f32 to vector<64x512xf32>
    %neg3A_200 = arith.subf %neg3A_199, %div3A_12 : vector<64x512xf32>
    %add3A = arith.constant 1.000000e-10 : f32
    %add3A_201 = vector.broadcast %add3A : f32 to vector<64x512xf32>
    %add3A_202 = arith.addf %div3A_12, %add3A_201 : vector<64x512xf32>
    %log3A = math.log %add3A_202 : vector<64x512xf32>
    %mul3A = arith.mulf %neg3A_200, %log3A : vector<64x512xf32>
    %concatenate3A = tpu.concatenate %convert_element_type3A_192, %div3A_12, %mul3A in 0 : vector<64x512xf32>, vector<64x512xf32>, vector<64x512xf32> -> vector<192x512xf32>
    %get3A_203 = arith.constant 0 : index
    %get3A_204 = arith.constant 0 : index
    %get3A_205 = vector.load %arg3[%get3A_203, %get3A_204] : memref<512x8xf32, #tpu.memory_space<vmem>>, vector<512x8xf32>
    %get3A_206 = vector.shape_cast %get3A_205 : vector<512x8xf32> to vector<512x8xf32>
    %dot_general3A_207 = arith.constant dense<0.000000e+00> : vector<192x8xf32>
    %dot_general3A_208 = tpu.matmul %concatenate3A, %get3A_206, %dot_general3A_207 {dimension_numbers = #tpu.dot_dimension_numbers<[1], [0], [0], [1], [0, 0, 1, 1], [], []>, transpose_lhs_hint = false} : vector<192x512xf32>, vector<512x8xf32>, vector<192x8xf32> -> vector<192x8xf32>
    %get3A_209 = arith.constant 0 : index
    %get3A_210 = arith.constant 0 : index
    %get3A_211 = vector.load %arg15[%get3A_209, %get3A_210] : memref<64x1xf32, #tpu.memory_space<vmem>>, vector<64x1xf32>
    %slice3A = vector.extract_strided_slice %dot_general3A_208 {offsets = [0, 0], sizes = [64, 1], strides = [1, 1]} : vector<192x8xf32> to vector<64x1xf32>
    %add3A_212 = arith.addf %get3A_211, %slice3A : vector<64x1xf32>
    %iota3A_213 = tpu.iota {dimensions = array<i32: 0>} : vector<64x64xi32>
    %iota3A_214 = tpu.iota {dimensions = array<i32: 1>} : vector<64x64xi32>
    %eq3A_215 = arith.cmpi eq, %iota3A_213, %iota3A_214 : vector<64x64xi32>
    %broadcast_in_dim3A_216 = vector.shape_cast %get3A_211 : vector<64x1xf32> to vector<64x1xf32>
    %broadcast_in_dim3A_217 = vector.broadcast %broadcast_in_dim3A_216 : vector<64x1xf32> to vector<64x64xf32>
    %jit3A_218 = arith.constant 0.000000e+00 : f32
    %broadcast_in_dim3A_219 = vector.broadcast %jit3A_218 : f32 to vector<64x64xf32>
    %select_n3A_220 = arith.select %eq3A_215, %broadcast_in_dim3A_217, %broadcast_in_dim3A_219 : vector<64x64xi1>, vector<64x64xf32>
    %reduce_sum3A_221 = arith.constant dense<0.000000e+00> : vector<64xf32>
    %reduce_sum3A_222 = vector.multi_reduction <add>, %select_n3A_220, %reduce_sum3A_221 [0] : vector<64x64xf32> to vector<64xf32>
    %broadcast_in_dim3A_223 = vector.shape_cast %reduce_sum3A_222 : vector<64xf32> to vector<1x64xf32>
    %broadcast_in_dim3A_224 = vector.shape_cast %add3A_212 : vector<64x1xf32> to vector<64x1xf32>
    %broadcast_in_dim3A_225 = vector.broadcast %broadcast_in_dim3A_224 : vector<64x1xf32> to vector<64x64xf32>
    %jit3A_226 = arith.constant 0.000000e+00 : f32
    %broadcast_in_dim3A_227 = vector.broadcast %jit3A_226 : f32 to vector<64x64xf32>
    %select_n3A_228 = arith.select %eq3A_215, %broadcast_in_dim3A_225, %broadcast_in_dim3A_227 : vector<64x64xi1>, vector<64x64xf32>
    %reduce_sum3A_229 = arith.constant dense<0.000000e+00> : vector<64xf32>
    %reduce_sum3A_230 = vector.multi_reduction <add>, %select_n3A_228, %reduce_sum3A_229 [0] : vector<64x64xf32> to vector<64xf32>
    %broadcast_in_dim3A_231 = vector.shape_cast %reduce_sum3A_230 : vector<64xf32> to vector<1x64xf32>
    %concatenate3A_232 = tpu.concatenate %broadcast_in_dim3A_223, %broadcast_in_dim3A_231 in 1 : vector<1x64xf32>, vector<1x64xf32> -> vector<1x128xf32>
    %convert_element_type3A_233 = arith.fptosi %concatenate3A_232 : vector<1x128xf32> to vector<1x128xi32>
    %reshape3A = vector.shape_cast %convert_element_type3A_233 : vector<1x128xi32> to vector<1x1x128xi32>
    %swap3A_234 = arith.constant 0 : index
    %swap3A_235 = arith.constant 0 : index
    %swap3A_236 = arith.constant 0 : index
    %swap3A_237 = vector.load %arg6[%swap3A_234, %swap3A_235, %swap3A_236] : memref<1x1x128xi32, #tpu.memory_space<vmem>>, vector<1x1x128xi32>
    tpu.vector_store %arg6[%swap3A_234, %swap3A_235, %swap3A_236], %reshape3A {strides = array<i32>} : memref<1x1x128xi32, #tpu.memory_space<vmem>>, vector<1x1x128xi32>,
    %div3A_238 = arith.constant 1.000000e+00 : f32
    %div3A_239 = vector.broadcast %div3A_238 : f32 to vector<1x512xf32>
    %div3A_240 = arith.divf %div3A_239, %broadcast_in_dim3A_198 : vector<1x512xf32>
    %get3A_241 = arith.constant 0 : index
    %get3A_242 = arith.constant 0 : index
    %get3A_243 = vector.load %arg13[%get3A_241, %get3A_242] : memref<8x512xi32, #tpu.memory_space<vmem>>, vector<1x128xi32>
    %swap3A_244 = arith.constant 0 : index
    %swap3A_245 = arith.constant 0 : index
    %swap3A_246 = vector.load %arg4[%swap3A_244, %swap3A_245] : memref<32x128xi32, #tpu.memory_space<vmem>>, vector<1x128xi32>
    tpu.vector_store %arg4[%swap3A_244, %swap3A_245], %get3A_243 {strides = array<i32>} : memref<32x128xi32, #tpu.memory_space<vmem>>, vector<1x128xi32>,
    %get3A_247 = arith.constant 0 : index
    %get3A_248 = arith.constant 0 : index
    %get3A_249 = vector.load %arg14[%get3A_247, %get3A_248] : memref<8x512xf32, #tpu.memory_space<vmem>>, vector<1x128xf32>
    %slice3A_250 = vector.extract_strided_slice %div3A_240 {offsets = [0, 0], sizes = [1, 128], strides = [1, 1]} : vector<1x512xf32> to vector<1x128xf32>
    %mul3A_251 = arith.mulf %get3A_249, %slice3A_250 : vector<1x128xf32>
    %swap3A_252 = arith.constant 0 : index
    %swap3A_253 = arith.constant 0 : index
    %swap3A_254 = vector.load %arg5[%swap3A_252, %swap3A_253] : memref<32x128xf32, #tpu.memory_space<vmem>>, vector<1x128xf32>
    tpu.vector_store %arg5[%swap3A_252, %swap3A_253], %mul3A_251 {strides = array<i32>} : memref<32x128xf32, #tpu.memory_space<vmem>>, vector<1x128xf32>,
    %get3A_255 = arith.constant 0 : index
    %get3A_256 = arith.constant 128 : index
    %get3A_257 = vector.load %arg13[%get3A_255, %get3A_256] : memref<8x512xi32, #tpu.memory_space<vmem>>, vector<1x128xi32>
    %swap3A_258 = arith.constant 1 : index
    %swap3A_259 = arith.constant 0 : index
    %swap3A_260 = vector.load %arg4[%swap3A_258, %swap3A_259] : memref<32x128xi32, #tpu.memory_space<vmem>>, vector<1x128xi32>
    tpu.vector_store %arg4[%swap3A_258, %swap3A_259], %get3A_257 {strides = array<i32>} : memref<32x128xi32, #tpu.memory_space<vmem>>, vector<1x128xi32>,
    %get3A_261 = arith.constant 0 : index
    %get3A_262 = arith.constant 128 : index
    %get3A_263 = vector.load %arg14[%get3A_261, %get3A_262] : memref<8x512xf32, #tpu.memory_space<vmem>>, vector<1x128xf32>
    %slice3A_264 = vector.extract_strided_slice %div3A_240 {offsets = [0, 128], sizes = [1, 128], strides = [1, 1]} : vector<1x512xf32> to vector<1x128xf32>
    %mul3A_265 = arith.mulf %get3A_263, %slice3A_264 : vector<1x128xf32>
    %swap3A_266 = arith.constant 1 : index
    %swap3A_267 = arith.constant 0 : index
    %swap3A_268 = vector.load %arg5[%swap3A_266, %swap3A_267] : memref<32x128xf32, #tpu.memory_space<vmem>>, vector<1x128xf32>
    tpu.vector_store %arg5[%swap3A_266, %swap3A_267], %mul3A_265 {strides = array<i32>} : memref<32x128xf32, #tpu.memory_space<vmem>>, vector<1x128xf32>,
    %get3A_269 = arith.constant 0 : index
    %get3A_270 = arith.constant 256 : index
    %get3A_271 = vector.load %arg13[%get3A_269, %get3A_270] : memref<8x512xi32, #tpu.memory_space<vmem>>, vector<1x128xi32>
    %swap3A_272 = arith.constant 2 : index
    %swap3A_273 = arith.constant 0 : index
    %swap3A_274 = vector.load %arg4[%swap3A_272, %swap3A_273] : memref<32x128xi32, #tpu.memory_space<vmem>>, vector<1x128xi32>
    tpu.vector_store %arg4[%swap3A_272, %swap3A_273], %get3A_271 {strides = array<i32>} : memref<32x128xi32, #tpu.memory_space<vmem>>, vector<1x128xi32>,
    %get3A_275 = arith.constant 0 : index
    %get3A_276 = arith.constant 256 : index
    %get3A_277 = vector.load %arg14[%get3A_275, %get3A_276] : memref<8x512xf32, #tpu.memory_space<vmem>>, vector<1x128xf32>
    %slice3A_278 = vector.extract_strided_slice %div3A_240 {offsets = [0, 256], sizes = [1, 128], strides = [1, 1]} : vector<1x512xf32> to vector<1x128xf32>
    %mul3A_279 = arith.mulf %get3A_277, %slice3A_278 : vector<1x128xf32>
    %swap3A_280 = arith.constant 2 : index
    %swap3A_281 = arith.constant 0 : index
    %swap3A_282 = vector.load %arg5[%swap3A_280, %swap3A_281] : memref<32x128xf32, #tpu.memory_space<vmem>>, vector<1x128xf32>
    tpu.vector_store %arg5[%swap3A_280, %swap3A_281], %mul3A_279 {strides = array<i32>} : memref<32x128xf32, #tpu.memory_space<vmem>>, vector<1x128xf32>,
    %get3A_283 = arith.constant 0 : index
    %get3A_284 = arith.constant 384 : index
    %get3A_285 = vector.load %arg13[%get3A_283, %get3A_284] : memref<8x512xi32, #tpu.memory_space<vmem>>, vector<1x128xi32>
    %swap3A_286 = arith.constant 3 : index
    %swap3A_287 = arith.constant 0 : index
    %swap3A_288 = vector.load %arg4[%swap3A_286, %swap3A_287] : memref<32x128xi32, #tpu.memory_space<vmem>>, vector<1x128xi32>
    tpu.vector_store %arg4[%swap3A_286, %swap3A_287], %get3A_285 {strides = array<i32>} : memref<32x128xi32, #tpu.memory_space<vmem>>, vector<1x128xi32>,
    %get3A_289 = arith.constant 0 : index
    %get3A_290 = arith.constant 384 : index
    %get3A_291 = vector.load %arg14[%get3A_289, %get3A_290] : memref<8x512xf32, #tpu.memory_space<vmem>>, vector<1x128xf32>
    %slice3A_292 = vector.extract_strided_slice %div3A_240 {offsets = [0, 384], sizes = [1, 128], strides = [1, 1]} : vector<1x512xf32> to vector<1x128xf32>
    %mul3A_293 = arith.mulf %get3A_291, %slice3A_292 : vector<1x128xf32>
    %swap3A_294 = arith.constant 3 : index
    %swap3A_295 = arith.constant 0 : index
    %swap3A_296 = vector.load %arg5[%swap3A_294, %swap3A_295] : memref<32x128xf32, #tpu.memory_space<vmem>>, vector<1x128xf32>
    tpu.vector_store %arg5[%swap3A_294, %swap3A_295], %mul3A_293 {strides = array<i32>} : memref<32x128xf32, #tpu.memory_space<vmem>>, vector<1x128xf32>,
    %get3A_297 = arith.constant 1 : index
    %get3A_298 = arith.constant 0 : index
    %get3A_299 = vector.load %arg13[%get3A_297, %get3A_298] : memref<8x512xi32, #tpu.memory_space<vmem>>, vector<1x128xi32>
    %swap3A_300 = arith.constant 4 : index
    %swap3A_301 = arith.constant 0 : index
    %swap3A_302 = vector.load %arg4[%swap3A_300, %swap3A_301] : memref<32x128xi32, #tpu.memory_space<vmem>>, vector<1x128xi32>
    tpu.vector_store %arg4[%swap3A_300, %swap3A_301], %get3A_299 {strides = array<i32>} : memref<32x128xi32, #tpu.memory_space<vmem>>, vector<1x128xi32>,
    %get3A_303 = arith.constant 1 : index
    %get3A_304 = arith.constant 0 : index
    %get3A_305 = vector.load %arg14[%get3A_303, %get3A_304] : memref<8x512xf32, #tpu.memory_space<vmem>>, vector<1x128xf32>
    %slice3A_306 = vector.extract_strided_slice %div3A_240 {offsets = [0, 0], sizes = [1, 128], strides = [1, 1]} : vector<1x512xf32> to vector<1x128xf32>
    %mul3A_307 = arith.mulf %get3A_305, %slice3A_306 : vector<1x128xf32>
    %swap3A_308 = arith.constant 4 : index
    %swap3A_309 = arith.constant 0 : index
    %swap3A_310 = vector.load %arg5[%swap3A_308, %swap3A_309] : memref<32x128xf32, #tpu.memory_space<vmem>>, vector<1x128xf32>
    tpu.vector_store %arg5[%swap3A_308, %swap3A_309], %mul3A_307 {strides = array<i32>} : memref<32x128xf32, #tpu.memory_space<vmem>>, vector<1x128xf32>,
    %get3A_311 = arith.constant 1 : index
    %get3A_312 = arith.constant 128 : index
    %get3A_313 = vector.load %arg13[%get3A_311, %get3A_312] : memref<8x512xi32, #tpu.memory_space<vmem>>, vector<1x128xi32>
    %swap3A_314 = arith.constant 5 : index
    %swap3A_315 = arith.constant 0 : index
    %swap3A_316 = vector.load %arg4[%swap3A_314, %swap3A_315] : memref<32x128xi32, #tpu.memory_space<vmem>>, vector<1x128xi32>
    tpu.vector_store %arg4[%swap3A_314, %swap3A_315], %get3A_313 {strides = array<i32>} : memref<32x128xi32, #tpu.memory_space<vmem>>, vector<1x128xi32>,
    %get3A_317 = arith.constant 1 : index
    %get3A_318 = arith.constant 128 : index
    %get3A_319 = vector.load %arg14[%get3A_317, %get3A_318] : memref<8x512xf32, #tpu.memory_space<vmem>>, vector<1x128xf32>
    %slice3A_320 = vector.extract_strided_slice %div3A_240 {offsets = [0, 128], sizes = [1, 128], strides = [1, 1]} : vector<1x512xf32> to vector<1x128xf32>
    %mul3A_321 = arith.mulf %get3A_319, %slice3A_320 : vector<1x128xf32>
    %swap3A_322 = arith.constant 5 : index
    %swap3A_323 = arith.constant 0 : index
    %swap3A_324 = vector.load %arg5[%swap3A_322, %swap3A_323] : memref<32x128xf32, #tpu.memory_space<vmem>>, vector<1x128xf32>
    tpu.vector_store %arg5[%swap3A_322, %swap3A_323], %mul3A_321 {strides = array<i32>} : memref<32x128xf32, #tpu.memory_space<vmem>>, vector<1x128xf32>,
    %get3A_325 = arith.constant 1 : index
    %get3A_326 = arith.constant 256 : index
    %get3A_327 = vector.load %arg13[%get3A_325, %get3A_326] : memref<8x512xi32, #tpu.memory_space<vmem>>, vector<1x128xi32>
    %swap3A_328 = arith.constant 6 : index
    %swap3A_329 = arith.constant 0 : index
    %swap3A_330 = vector.load %arg4[%swap3A_328, %swap3A_329] : memref<32x128xi32, #tpu.memory_space<vmem>>, vector<1x128xi32>
    tpu.vector_store %arg4[%swap3A_328, %swap3A_329], %get3A_327 {strides = array<i32>} : memref<32x128xi32, #tpu.memory_space<vmem>>, vector<1x128xi32>,
    %get3A_331 = arith.constant 1 : index
    %get3A_332 = arith.constant 256 : index
    %get3A_333 = vector.load %arg14[%get3A_331, %get3A_332] : memref<8x512xf32, #tpu.memory_space<vmem>>, vector<1x128xf32>
    %slice3A_334 = vector.extract_strided_slice %div3A_240 {offsets = [0, 256], sizes = [1, 128], strides = [1, 1]} : vector<1x512xf32> to vector<1x128xf32>
    %mul3A_335 = arith.mulf %get3A_333, %slice3A_334 : vector<1x128xf32>
    %swap3A_336 = arith.constant 6 : index
    %swap3A_337 = arith.constant 0 : index
    %swap3A_338 = vector.load %arg5[%swap3A_336, %swap3A_337] : memref<32x128xf32, #tpu.memory_space<vmem>>, vector<1x128xf32>
    tpu.vector_store %arg5[%swap3A_336, %swap3A_337], %mul3A_335 {strides = array<i32>} : memref<32x128xf32, #tpu.memory_space<vmem>>, vector<1x128xf32>,
    %get3A_339 = arith.constant 1 : index
    %get3A_340 = arith.constant 384 : index
    %get3A_341 = vector.load %arg13[%get3A_339, %get3A_340] : memref<8x512xi32, #tpu.memory_space<vmem>>, vector<1x128xi32>
    %swap3A_342 = arith.constant 7 : index
    %swap3A_343 = arith.constant 0 : index
    %swap3A_344 = vector.load %arg4[%swap3A_342, %swap3A_343] : memref<32x128xi32, #tpu.memory_space<vmem>>, vector<1x128xi32>
    tpu.vector_store %arg4[%swap3A_342, %swap3A_343], %get3A_341 {strides = array<i32>} : memref<32x128xi32, #tpu.memory_space<vmem>>, vector<1x128xi32>,
    %get3A_345 = arith.constant 1 : index
    %get3A_346 = arith.constant 384 : index
    %get3A_347 = vector.load %arg14[%get3A_345, %get3A_346] : memref<8x512xf32, #tpu.memory_space<vmem>>, vector<1x128xf32>
    %slice3A_348 = vector.extract_strided_slice %div3A_240 {offsets = [0, 384], sizes = [1, 128], strides = [1, 1]} : vector<1x512xf32> to vector<1x128xf32>
    %mul3A_349 = arith.mulf %get3A_347, %slice3A_348 : vector<1x128xf32>
    %swap3A_350 = arith.constant 7 : index
    %swap3A_351 = arith.constant 0 : index
    %swap3A_352 = vector.load %arg5[%swap3A_350, %swap3A_351] : memref<32x128xf32, #tpu.memory_space<vmem>>, vector<1x128xf32>
    tpu.vector_store %arg5[%swap3A_350, %swap3A_351], %mul3A_349 {strides = array<i32>} : memref<32x128xf32, #tpu.memory_space<vmem>>, vector<1x128xf32>,
    %get3A_353 = arith.constant 2 : index
    %get3A_354 = arith.constant 0 : index
    %get3A_355 = vector.load %arg13[%get3A_353, %get3A_354] : memref<8x512xi32, #tpu.memory_space<vmem>>, vector<1x128xi32>
    %swap3A_356 = arith.constant 8 : index
    %swap3A_357 = arith.constant 0 : index
    %swap3A_358 = vector.load %arg4[%swap3A_356, %swap3A_357] : memref<32x128xi32, #tpu.memory_space<vmem>>, vector<1x128xi32>
    tpu.vector_store %arg4[%swap3A_356, %swap3A_357], %get3A_355 {strides = array<i32>} : memref<32x128xi32, #tpu.memory_space<vmem>>, vector<1x128xi32>,
    %get3A_359 = arith.constant 2 : index
    %get3A_360 = arith.constant 0 : index
    %get3A_361 = vector.load %arg14[%get3A_359, %get3A_360] : memref<8x512xf32, #tpu.memory_space<vmem>>, vector<1x128xf32>
    %slice3A_362 = vector.extract_strided_slice %div3A_240 {offsets = [0, 0], sizes = [1, 128], strides = [1, 1]} : vector<1x512xf32> to vector<1x128xf32>
    %mul3A_363 = arith.mulf %get3A_361, %slice3A_362 : vector<1x128xf32>
    %swap3A_364 = arith.constant 8 : index
    %swap3A_365 = arith.constant 0 : index
    %swap3A_366 = vector.load %arg5[%swap3A_364, %swap3A_365] : memref<32x128xf32, #tpu.memory_space<vmem>>, vector<1x128xf32>
    tpu.vector_store %arg5[%swap3A_364, %swap3A_365], %mul3A_363 {strides = array<i32>} : memref<32x128xf32, #tpu.memory_space<vmem>>, vector<1x128xf32>,
    %get3A_367 = arith.constant 2 : index
    %get3A_368 = arith.constant 128 : index
    %get3A_369 = vector.load %arg13[%get3A_367, %get3A_368] : memref<8x512xi32, #tpu.memory_space<vmem>>, vector<1x128xi32>
    %swap3A_370 = arith.constant 9 : index
    %swap3A_371 = arith.constant 0 : index
    %swap3A_372 = vector.load %arg4[%swap3A_370, %swap3A_371] : memref<32x128xi32, #tpu.memory_space<vmem>>, vector<1x128xi32>
    tpu.vector_store %arg4[%swap3A_370, %swap3A_371], %get3A_369 {strides = array<i32>} : memref<32x128xi32, #tpu.memory_space<vmem>>, vector<1x128xi32>,
    %get3A_373 = arith.constant 2 : index
    %get3A_374 = arith.constant 128 : index
    %get3A_375 = vector.load %arg14[%get3A_373, %get3A_374] : memref<8x512xf32, #tpu.memory_space<vmem>>, vector<1x128xf32>
    %slice3A_376 = vector.extract_strided_slice %div3A_240 {offsets = [0, 128], sizes = [1, 128], strides = [1, 1]} : vector<1x512xf32> to vector<1x128xf32>
    %mul3A_377 = arith.mulf %get3A_375, %slice3A_376 : vector<1x128xf32>
    %swap3A_378 = arith.constant 9 : index
    %swap3A_379 = arith.constant 0 : index
    %swap3A_380 = vector.load %arg5[%swap3A_378, %swap3A_379] : memref<32x128xf32, #tpu.memory_space<vmem>>, vector<1x128xf32>
    tpu.vector_store %arg5[%swap3A_378, %swap3A_379], %mul3A_377 {strides = array<i32>} : memref<32x128xf32, #tpu.memory_space<vmem>>, vector<1x128xf32>,
    %get3A_381 = arith.constant 2 : index
    %get3A_382 = arith.constant 256 : index
    %get3A_383 = vector.load %arg13[%get3A_381, %get3A_382] : memref<8x512xi32, #tpu.memory_space<vmem>>, vector<1x128xi32>
    %swap3A_384 = arith.constant 10 : index
    %swap3A_385 = arith.constant 0 : index
    %swap3A_386 = vector.load %arg4[%swap3A_384, %swap3A_385] : memref<32x128xi32, #tpu.memory_space<vmem>>, vector<1x128xi32>
    tpu.vector_store %arg4[%swap3A_384, %swap3A_385], %get3A_383 {strides = array<i32>} : memref<32x128xi32, #tpu.memory_space<vmem>>, vector<1x128xi32>,
    %get3A_387 = arith.constant 2 : index
    %get3A_388 = arith.constant 256 : index
    %get3A_389 = vector.load %arg14[%get3A_387, %get3A_388] : memref<8x512xf32, #tpu.memory_space<vmem>>, vector<1x128xf32>
    %slice3A_390 = vector.extract_strided_slice %div3A_240 {offsets = [0, 256], sizes = [1, 128], strides = [1, 1]} : vector<1x512xf32> to vector<1x128xf32>
    %mul3A_391 = arith.mulf %get3A_389, %slice3A_390 : vector<1x128xf32>
    %swap3A_392 = arith.constant 10 : index
    %swap3A_393 = arith.constant 0 : index
    %swap3A_394 = vector.load %arg5[%swap3A_392, %swap3A_393] : memref<32x128xf32, #tpu.memory_space<vmem>>, vector<1x128xf32>
    tpu.vector_store %arg5[%swap3A_392, %swap3A_393], %mul3A_391 {strides = array<i32>} : memref<32x128xf32, #tpu.memory_space<vmem>>, vector<1x128xf32>,
    %get3A_395 = arith.constant 2 : index
    %get3A_396 = arith.constant 384 : index
    %get3A_397 = vector.load %arg13[%get3A_395, %get3A_396] : memref<8x512xi32, #tpu.memory_space<vmem>>, vector<1x128xi32>
    %swap3A_398 = arith.constant 11 : index
    %swap3A_399 = arith.constant 0 : index
    %swap3A_400 = vector.load %arg4[%swap3A_398, %swap3A_399] : memref<32x128xi32, #tpu.memory_space<vmem>>, vector<1x128xi32>
    tpu.vector_store %arg4[%swap3A_398, %swap3A_399], %get3A_397 {strides = array<i32>} : memref<32x128xi32, #tpu.memory_space<vmem>>, vector<1x128xi32>,
    %get3A_401 = arith.constant 2 : index
    %get3A_402 = arith.constant 384 : index
    %get3A_403 = vector.load %arg14[%get3A_401, %get3A_402] : memref<8x512xf32, #tpu.memory_space<vmem>>, vector<1x128xf32>
    %slice3A_404 = vector.extract_strided_slice %div3A_240 {offsets = [0, 384], sizes = [1, 128], strides = [1, 1]} : vector<1x512xf32> to vector<1x128xf32>
    %mul3A_405 = arith.mulf %get3A_403, %slice3A_404 : vector<1x128xf32>
    %swap3A_406 = arith.constant 11 : index
    %swap3A_407 = arith.constant 0 : index
    %swap3A_408 = vector.load %arg5[%swap3A_406, %swap3A_407] : memref<32x128xf32, #tpu.memory_space<vmem>>, vector<1x128xf32>
    tpu.vector_store %arg5[%swap3A_406, %swap3A_407], %mul3A_405 {strides = array<i32>} : memref<32x128xf32, #tpu.memory_space<vmem>>, vector<1x128xf32>,
    %get3A_409 = arith.constant 3 : index
    %get3A_410 = arith.constant 0 : index
    %get3A_411 = vector.load %arg13[%get3A_409, %get3A_410] : memref<8x512xi32, #tpu.memory_space<vmem>>, vector<1x128xi32>
    %swap3A_412 = arith.constant 12 : index
    %swap3A_413 = arith.constant 0 : index
    %swap3A_414 = vector.load %arg4[%swap3A_412, %swap3A_413] : memref<32x128xi32, #tpu.memory_space<vmem>>, vector<1x128xi32>
    tpu.vector_store %arg4[%swap3A_412, %swap3A_413], %get3A_411 {strides = array<i32>} : memref<32x128xi32, #tpu.memory_space<vmem>>, vector<1x128xi32>,
    %get3A_415 = arith.constant 3 : index
    %get3A_416 = arith.constant 0 : index
    %get3A_417 = vector.load %arg14[%get3A_415, %get3A_416] : memref<8x512xf32, #tpu.memory_space<vmem>>, vector<1x128xf32>
    %slice3A_418 = vector.extract_strided_slice %div3A_240 {offsets = [0, 0], sizes = [1, 128], strides = [1, 1]} : vector<1x512xf32> to vector<1x128xf32>
    %mul3A_419 = arith.mulf %get3A_417, %slice3A_418 : vector<1x128xf32>
    %swap3A_420 = arith.constant 12 : index
    %swap3A_421 = arith.constant 0 : index
    %swap3A_422 = vector.load %arg5[%swap3A_420, %swap3A_421] : memref<32x128xf32, #tpu.memory_space<vmem>>, vector<1x128xf32>
    tpu.vector_store %arg5[%swap3A_420, %swap3A_421], %mul3A_419 {strides = array<i32>} : memref<32x128xf32, #tpu.memory_space<vmem>>, vector<1x128xf32>,
    %get3A_423 = arith.constant 3 : index
    %get3A_424 = arith.constant 128 : index
    %get3A_425 = vector.load %arg13[%get3A_423, %get3A_424] : memref<8x512xi32, #tpu.memory_space<vmem>>, vector<1x128xi32>
    %swap3A_426 = arith.constant 13 : index
    %swap3A_427 = arith.constant 0 : index
    %swap3A_428 = vector.load %arg4[%swap3A_426, %swap3A_427] : memref<32x128xi32, #tpu.memory_space<vmem>>, vector<1x128xi32>
    tpu.vector_store %arg4[%swap3A_426, %swap3A_427], %get3A_425 {strides = array<i32>} : memref<32x128xi32, #tpu.memory_space<vmem>>, vector<1x128xi32>,
    %get3A_429 = arith.constant 3 : index
    %get3A_430 = arith.constant 128 : index
    %get3A_431 = vector.load %arg14[%get3A_429, %get3A_430] : memref<8x512xf32, #tpu.memory_space<vmem>>, vector<1x128xf32>
    %slice3A_432 = vector.extract_strided_slice %div3A_240 {offsets = [0, 128], sizes = [1, 128], strides = [1, 1]} : vector<1x512xf32> to vector<1x128xf32>
    %mul3A_433 = arith.mulf %get3A_431, %slice3A_432 : vector<1x128xf32>
    %swap3A_434 = arith.constant 13 : index
    %swap3A_435 = arith.constant 0 : index
    %swap3A_436 = vector.load %arg5[%swap3A_434, %swap3A_435] : memref<32x128xf32, #tpu.memory_space<vmem>>, vector<1x128xf32>
    tpu.vector_store %arg5[%swap3A_434, %swap3A_435], %mul3A_433 {strides = array<i32>} : memref<32x128xf32, #tpu.memory_space<vmem>>, vector<1x128xf32>,
    %get3A_437 = arith.constant 3 : index
    %get3A_438 = arith.constant 256 : index
    %get3A_439 = vector.load %arg13[%get3A_437, %get3A_438] : memref<8x512xi32, #tpu.memory_space<vmem>>, vector<1x128xi32>
    %swap3A_440 = arith.constant 14 : index
    %swap3A_441 = arith.constant 0 : index
    %swap3A_442 = vector.load %arg4[%swap3A_440, %swap3A_441] : memref<32x128xi32, #tpu.memory_space<vmem>>, vector<1x128xi32>
    tpu.vector_store %arg4[%swap3A_440, %swap3A_441], %get3A_439 {strides = array<i32>} : memref<32x128xi32, #tpu.memory_space<vmem>>, vector<1x128xi32>,
    %get3A_443 = arith.constant 3 : index
    %get3A_444 = arith.constant 256 : index
    %get3A_445 = vector.load %arg14[%get3A_443, %get3A_444] : memref<8x512xf32, #tpu.memory_space<vmem>>, vector<1x128xf32>
    %slice3A_446 = vector.extract_strided_slice %div3A_240 {offsets = [0, 256], sizes = [1, 128], strides = [1, 1]} : vector<1x512xf32> to vector<1x128xf32>
    %mul3A_447 = arith.mulf %get3A_445, %slice3A_446 : vector<1x128xf32>
    %swap3A_448 = arith.constant 14 : index
    %swap3A_449 = arith.constant 0 : index
    %swap3A_450 = vector.load %arg5[%swap3A_448, %swap3A_449] : memref<32x128xf32, #tpu.memory_space<vmem>>, vector<1x128xf32>
    tpu.vector_store %arg5[%swap3A_448, %swap3A_449], %mul3A_447 {strides = array<i32>} : memref<32x128xf32, #tpu.memory_space<vmem>>, vector<1x128xf32>,
    %get3A_451 = arith.constant 3 : index
    %get3A_452 = arith.constant 384 : index
    %get3A_453 = vector.load %arg13[%get3A_451, %get3A_452] : memref<8x512xi32, #tpu.memory_space<vmem>>, vector<1x128xi32>
    %swap3A_454 = arith.constant 15 : index
    %swap3A_455 = arith.constant 0 : index
    %swap3A_456 = vector.load %arg4[%swap3A_454, %swap3A_455] : memref<32x128xi32, #tpu.memory_space<vmem>>, vector<1x128xi32>
    tpu.vector_store %arg4[%swap3A_454, %swap3A_455], %get3A_453 {strides = array<i32>} : memref<32x128xi32, #tpu.memory_space<vmem>>, vector<1x128xi32>,
    %get3A_457 = arith.constant 3 : index
    %get3A_458 = arith.constant 384 : index
    %get3A_459 = vector.load %arg14[%get3A_457, %get3A_458] : memref<8x512xf32, #tpu.memory_space<vmem>>, vector<1x128xf32>
    %slice3A_460 = vector.extract_strided_slice %div3A_240 {offsets = [0, 384], sizes = [1, 128], strides = [1, 1]} : vector<1x512xf32> to vector<1x128xf32>
    %mul3A_461 = arith.mulf %get3A_459, %slice3A_460 : vector<1x128xf32>
    %swap3A_462 = arith.constant 15 : index
    %swap3A_463 = arith.constant 0 : index
    %swap3A_464 = vector.load %arg5[%swap3A_462, %swap3A_463] : memref<32x128xf32, #tpu.memory_space<vmem>>, vector<1x128xf32>
    tpu.vector_store %arg5[%swap3A_462, %swap3A_463], %mul3A_461 {strides = array<i32>} : memref<32x128xf32, #tpu.memory_space<vmem>>, vector<1x128xf32>,
    %get3A_465 = arith.constant 4 : index
    %get3A_466 = arith.constant 0 : index
    %get3A_467 = vector.load %arg13[%get3A_465, %get3A_466] : memref<8x512xi32, #tpu.memory_space<vmem>>, vector<1x128xi32>
    %swap3A_468 = arith.constant 16 : index
    %swap3A_469 = arith.constant 0 : index
    %swap3A_470 = vector.load %arg4[%swap3A_468, %swap3A_469] : memref<32x128xi32, #tpu.memory_space<vmem>>, vector<1x128xi32>
    tpu.vector_store %arg4[%swap3A_468, %swap3A_469], %get3A_467 {strides = array<i32>} : memref<32x128xi32, #tpu.memory_space<vmem>>, vector<1x128xi32>,
    %get3A_471 = arith.constant 4 : index
    %get3A_472 = arith.constant 0 : index
    %get3A_473 = vector.load %arg14[%get3A_471, %get3A_472] : memref<8x512xf32, #tpu.memory_space<vmem>>, vector<1x128xf32>
    %slice3A_474 = vector.extract_strided_slice %div3A_240 {offsets = [0, 0], sizes = [1, 128], strides = [1, 1]} : vector<1x512xf32> to vector<1x128xf32>
    %mul3A_475 = arith.mulf %get3A_473, %slice3A_474 : vector<1x128xf32>
    %swap3A_476 = arith.constant 16 : index
    %swap3A_477 = arith.constant 0 : index
    %swap3A_478 = vector.load %arg5[%swap3A_476, %swap3A_477] : memref<32x128xf32, #tpu.memory_space<vmem>>, vector<1x128xf32>
    tpu.vector_store %arg5[%swap3A_476, %swap3A_477], %mul3A_475 {strides = array<i32>} : memref<32x128xf32, #tpu.memory_space<vmem>>, vector<1x128xf32>,
    %get3A_479 = arith.constant 4 : index
    %get3A_480 = arith.constant 128 : index
    %get3A_481 = vector.load %arg13[%get3A_479, %get3A_480] : memref<8x512xi32, #tpu.memory_space<vmem>>, vector<1x128xi32>
    %swap3A_482 = arith.constant 17 : index
    %swap3A_483 = arith.constant 0 : index
    %swap3A_484 = vector.load %arg4[%swap3A_482, %swap3A_483] : memref<32x128xi32, #tpu.memory_space<vmem>>, vector<1x128xi32>
    tpu.vector_store %arg4[%swap3A_482, %swap3A_483], %get3A_481 {strides = array<i32>} : memref<32x128xi32, #tpu.memory_space<vmem>>, vector<1x128xi32>,
    %get3A_485 = arith.constant 4 : index
    %get3A_486 = arith.constant 128 : index
    %get3A_487 = vector.load %arg14[%get3A_485, %get3A_486] : memref<8x512xf32, #tpu.memory_space<vmem>>, vector<1x128xf32>
    %slice3A_488 = vector.extract_strided_slice %div3A_240 {offsets = [0, 128], sizes = [1, 128], strides = [1, 1]} : vector<1x512xf32> to vector<1x128xf32>
    %mul3A_489 = arith.mulf %get3A_487, %slice3A_488 : vector<1x128xf32>
    %swap3A_490 = arith.constant 17 : index
    %swap3A_491 = arith.constant 0 : index
    %swap3A_492 = vector.load %arg5[%swap3A_490, %swap3A_491] : memref<32x128xf32, #tpu.memory_space<vmem>>, vector<1x128xf32>
    tpu.vector_store %arg5[%swap3A_490, %swap3A_491], %mul3A_489 {strides = array<i32>} : memref<32x128xf32, #tpu.memory_space<vmem>>, vector<1x128xf32>,
    %get3A_493 = arith.constant 4 : index
    %get3A_494 = arith.constant 256 : index
    %get3A_495 = vector.load %arg13[%get3A_493, %get3A_494] : memref<8x512xi32, #tpu.memory_space<vmem>>, vector<1x128xi32>
    %swap3A_496 = arith.constant 18 : index
    %swap3A_497 = arith.constant 0 : index
    %swap3A_498 = vector.load %arg4[%swap3A_496, %swap3A_497] : memref<32x128xi32, #tpu.memory_space<vmem>>, vector<1x128xi32>
    tpu.vector_store %arg4[%swap3A_496, %swap3A_497], %get3A_495 {strides = array<i32>} : memref<32x128xi32, #tpu.memory_space<vmem>>, vector<1x128xi32>,
    %get3A_499 = arith.constant 4 : index
    %get3A_500 = arith.constant 256 : index
    %get3A_501 = vector.load %arg14[%get3A_499, %get3A_500] : memref<8x512xf32, #tpu.memory_space<vmem>>, vector<1x128xf32>
    %slice3A_502 = vector.extract_strided_slice %div3A_240 {offsets = [0, 256], sizes = [1, 128], strides = [1, 1]} : vector<1x512xf32> to vector<1x128xf32>
    %mul3A_503 = arith.mulf %get3A_501, %slice3A_502 : vector<1x128xf32>
    %swap3A_504 = arith.constant 18 : index
    %swap3A_505 = arith.constant 0 : index
    %swap3A_506 = vector.load %arg5[%swap3A_504, %swap3A_505] : memref<32x128xf32, #tpu.memory_space<vmem>>, vector<1x128xf32>
    tpu.vector_store %arg5[%swap3A_504, %swap3A_505], %mul3A_503 {strides = array<i32>} : memref<32x128xf32, #tpu.memory_space<vmem>>, vector<1x128xf32>,
    %get3A_507 = arith.constant 4 : index
    %get3A_508 = arith.constant 384 : index
    %get3A_509 = vector.load %arg13[%get3A_507, %get3A_508] : memref<8x512xi32, #tpu.memory_space<vmem>>, vector<1x128xi32>
    %swap3A_510 = arith.constant 19 : index
    %swap3A_511 = arith.constant 0 : index
    %swap3A_512 = vector.load %arg4[%swap3A_510, %swap3A_511] : memref<32x128xi32, #tpu.memory_space<vmem>>, vector<1x128xi32>
    tpu.vector_store %arg4[%swap3A_510, %swap3A_511], %get3A_509 {strides = array<i32>} : memref<32x128xi32, #tpu.memory_space<vmem>>, vector<1x128xi32>,
    %get3A_513 = arith.constant 4 : index
    %get3A_514 = arith.constant 384 : index
    %get3A_515 = vector.load %arg14[%get3A_513, %get3A_514] : memref<8x512xf32, #tpu.memory_space<vmem>>, vector<1x128xf32>
    %slice3A_516 = vector.extract_strided_slice %div3A_240 {offsets = [0, 384], sizes = [1, 128], strides = [1, 1]} : vector<1x512xf32> to vector<1x128xf32>
    %mul3A_517 = arith.mulf %get3A_515, %slice3A_516 : vector<1x128xf32>
    %swap3A_518 = arith.constant 19 : index
    %swap3A_519 = arith.constant 0 : index
    %swap3A_520 = vector.load %arg5[%swap3A_518, %swap3A_519] : memref<32x128xf32, #tpu.memory_space<vmem>>, vector<1x128xf32>
    tpu.vector_store %arg5[%swap3A_518, %swap3A_519], %mul3A_517 {strides = array<i32>} : memref<32x128xf32, #tpu.memory_space<vmem>>, vector<1x128xf32>,
    %get3A_521 = arith.constant 5 : index
    %get3A_522 = arith.constant 0 : index
    %get3A_523 = vector.load %arg13[%get3A_521, %get3A_522] : memref<8x512xi32, #tpu.memory_space<vmem>>, vector<1x128xi32>
    %swap3A_524 = arith.constant 20 : index
    %swap3A_525 = arith.constant 0 : index
    %swap3A_526 = vector.load %arg4[%swap3A_524, %swap3A_525] : memref<32x128xi32, #tpu.memory_space<vmem>>, vector<1x128xi32>
    tpu.vector_store %arg4[%swap3A_524, %swap3A_525], %get3A_523 {strides = array<i32>} : memref<32x128xi32, #tpu.memory_space<vmem>>, vector<1x128xi32>,
    %get3A_527 = arith.constant 5 : index
    %get3A_528 = arith.constant 0 : index
    %get3A_529 = vector.load %arg14[%get3A_527, %get3A_528] : memref<8x512xf32, #tpu.memory_space<vmem>>, vector<1x128xf32>
    %slice3A_530 = vector.extract_strided_slice %div3A_240 {offsets = [0, 0], sizes = [1, 128], strides = [1, 1]} : vector<1x512xf32> to vector<1x128xf32>
    %mul3A_531 = arith.mulf %get3A_529, %slice3A_530 : vector<1x128xf32>
    %swap3A_532 = arith.constant 20 : index
    %swap3A_533 = arith.constant 0 : index
    %swap3A_534 = vector.load %arg5[%swap3A_532, %swap3A_533] : memref<32x128xf32, #tpu.memory_space<vmem>>, vector<1x128xf32>
    tpu.vector_store %arg5[%swap3A_532, %swap3A_533], %mul3A_531 {strides = array<i32>} : memref<32x128xf32, #tpu.memory_space<vmem>>, vector<1x128xf32>,
    %get3A_535 = arith.constant 5 : index
    %get3A_536 = arith.constant 128 : index
    %get3A_537 = vector.load %arg13[%get3A_535, %get3A_536] : memref<8x512xi32, #tpu.memory_space<vmem>>, vector<1x128xi32>
    %swap3A_538 = arith.constant 21 : index
    %swap3A_539 = arith.constant 0 : index
    %swap3A_540 = vector.load %arg4[%swap3A_538, %swap3A_539] : memref<32x128xi32, #tpu.memory_space<vmem>>, vector<1x128xi32>
    tpu.vector_store %arg4[%swap3A_538, %swap3A_539], %get3A_537 {strides = array<i32>} : memref<32x128xi32, #tpu.memory_space<vmem>>, vector<1x128xi32>,
    %get3A_541 = arith.constant 5 : index
    %get3A_542 = arith.constant 128 : index
    %get3A_543 = vector.load %arg14[%get3A_541, %get3A_542] : memref<8x512xf32, #tpu.memory_space<vmem>>, vector<1x128xf32>
    %slice3A_544 = vector.extract_strided_slice %div3A_240 {offsets = [0, 128], sizes = [1, 128], strides = [1, 1]} : vector<1x512xf32> to vector<1x128xf32>
    %mul3A_545 = arith.mulf %get3A_543, %slice3A_544 : vector<1x128xf32>
    %swap3A_546 = arith.constant 21 : index
    %swap3A_547 = arith.constant 0 : index
    %swap3A_548 = vector.load %arg5[%swap3A_546, %swap3A_547] : memref<32x128xf32, #tpu.memory_space<vmem>>, vector<1x128xf32>
    tpu.vector_store %arg5[%swap3A_546, %swap3A_547], %mul3A_545 {strides = array<i32>} : memref<32x128xf32, #tpu.memory_space<vmem>>, vector<1x128xf32>,
    %get3A_549 = arith.constant 5 : index
    %get3A_550 = arith.constant 256 : index
    %get3A_551 = vector.load %arg13[%get3A_549, %get3A_550] : memref<8x512xi32, #tpu.memory_space<vmem>>, vector<1x128xi32>
    %swap3A_552 = arith.constant 22 : index
    %swap3A_553 = arith.constant 0 : index
    %swap3A_554 = vector.load %arg4[%swap3A_552, %swap3A_553] : memref<32x128xi32, #tpu.memory_space<vmem>>, vector<1x128xi32>
    tpu.vector_store %arg4[%swap3A_552, %swap3A_553], %get3A_551 {strides = array<i32>} : memref<32x128xi32, #tpu.memory_space<vmem>>, vector<1x128xi32>,
    %get3A_555 = arith.constant 5 : index
    %get3A_556 = arith.constant 256 : index
    %get3A_557 = vector.load %arg14[%get3A_555, %get3A_556] : memref<8x512xf32, #tpu.memory_space<vmem>>, vector<1x128xf32>
    %slice3A_558 = vector.extract_strided_slice %div3A_240 {offsets = [0, 256], sizes = [1, 128], strides = [1, 1]} : vector<1x512xf32> to vector<1x128xf32>
    %mul3A_559 = arith.mulf %get3A_557, %slice3A_558 : vector<1x128xf32>
    %swap3A_560 = arith.constant 22 : index
    %swap3A_561 = arith.constant 0 : index
    %swap3A_562 = vector.load %arg5[%swap3A_560, %swap3A_561] : memref<32x128xf32, #tpu.memory_space<vmem>>, vector<1x128xf32>
    tpu.vector_store %arg5[%swap3A_560, %swap3A_561], %mul3A_559 {strides = array<i32>} : memref<32x128xf32, #tpu.memory_space<vmem>>, vector<1x128xf32>,
    %get3A_563 = arith.constant 5 : index
    %get3A_564 = arith.constant 384 : index
    %get3A_565 = vector.load %arg13[%get3A_563, %get3A_564] : memref<8x512xi32, #tpu.memory_space<vmem>>, vector<1x128xi32>
    %swap3A_566 = arith.constant 23 : index
    %swap3A_567 = arith.constant 0 : index
    %swap3A_568 = vector.load %arg4[%swap3A_566, %swap3A_567] : memref<32x128xi32, #tpu.memory_space<vmem>>, vector<1x128xi32>
    tpu.vector_store %arg4[%swap3A_566, %swap3A_567], %get3A_565 {strides = array<i32>} : memref<32x128xi32, #tpu.memory_space<vmem>>, vector<1x128xi32>,
    %get3A_569 = arith.constant 5 : index
    %get3A_570 = arith.constant 384 : index
    %get3A_571 = vector.load %arg14[%get3A_569, %get3A_570] : memref<8x512xf32, #tpu.memory_space<vmem>>, vector<1x128xf32>
    %slice3A_572 = vector.extract_strided_slice %div3A_240 {offsets = [0, 384], sizes = [1, 128], strides = [1, 1]} : vector<1x512xf32> to vector<1x128xf32>
    %mul3A_573 = arith.mulf %get3A_571, %slice3A_572 : vector<1x128xf32>
    %swap3A_574 = arith.constant 23 : index
    %swap3A_575 = arith.constant 0 : index
    %swap3A_576 = vector.load %arg5[%swap3A_574, %swap3A_575] : memref<32x128xf32, #tpu.memory_space<vmem>>, vector<1x128xf32>
    tpu.vector_store %arg5[%swap3A_574, %swap3A_575], %mul3A_573 {strides = array<i32>} : memref<32x128xf32, #tpu.memory_space<vmem>>, vector<1x128xf32>,
    %get3A_577 = arith.constant 6 : index
    %get3A_578 = arith.constant 0 : index
    %get3A_579 = vector.load %arg13[%get3A_577, %get3A_578] : memref<8x512xi32, #tpu.memory_space<vmem>>, vector<1x128xi32>
    %swap3A_580 = arith.constant 24 : index
    %swap3A_581 = arith.constant 0 : index
    %swap3A_582 = vector.load %arg4[%swap3A_580, %swap3A_581] : memref<32x128xi32, #tpu.memory_space<vmem>>, vector<1x128xi32>
    tpu.vector_store %arg4[%swap3A_580, %swap3A_581], %get3A_579 {strides = array<i32>} : memref<32x128xi32, #tpu.memory_space<vmem>>, vector<1x128xi32>,
    %get3A_583 = arith.constant 6 : index
    %get3A_584 = arith.constant 0 : index
    %get3A_585 = vector.load %arg14[%get3A_583, %get3A_584] : memref<8x512xf32, #tpu.memory_space<vmem>>, vector<1x128xf32>
    %slice3A_586 = vector.extract_strided_slice %div3A_240 {offsets = [0, 0], sizes = [1, 128], strides = [1, 1]} : vector<1x512xf32> to vector<1x128xf32>
    %mul3A_587 = arith.mulf %get3A_585, %slice3A_586 : vector<1x128xf32>
    %swap3A_588 = arith.constant 24 : index
    %swap3A_589 = arith.constant 0 : index
    %swap3A_590 = vector.load %arg5[%swap3A_588, %swap3A_589] : memref<32x128xf32, #tpu.memory_space<vmem>>, vector<1x128xf32>
    tpu.vector_store %arg5[%swap3A_588, %swap3A_589], %mul3A_587 {strides = array<i32>} : memref<32x128xf32, #tpu.memory_space<vmem>>, vector<1x128xf32>,
    %get3A_591 = arith.constant 6 : index
    %get3A_592 = arith.constant 128 : index
    %get3A_593 = vector.load %arg13[%get3A_591, %get3A_592] : memref<8x512xi32, #tpu.memory_space<vmem>>, vector<1x128xi32>
    %swap3A_594 = arith.constant 25 : index
    %swap3A_595 = arith.constant 0 : index
    %swap3A_596 = vector.load %arg4[%swap3A_594, %swap3A_595] : memref<32x128xi32, #tpu.memory_space<vmem>>, vector<1x128xi32>
    tpu.vector_store %arg4[%swap3A_594, %swap3A_595], %get3A_593 {strides = array<i32>} : memref<32x128xi32, #tpu.memory_space<vmem>>, vector<1x128xi32>,
    %get3A_597 = arith.constant 6 : index
    %get3A_598 = arith.constant 128 : index
    %get3A_599 = vector.load %arg14[%get3A_597, %get3A_598] : memref<8x512xf32, #tpu.memory_space<vmem>>, vector<1x128xf32>
    %slice3A_600 = vector.extract_strided_slice %div3A_240 {offsets = [0, 128], sizes = [1, 128], strides = [1, 1]} : vector<1x512xf32> to vector<1x128xf32>
    %mul3A_601 = arith.mulf %get3A_599, %slice3A_600 : vector<1x128xf32>
    %swap3A_602 = arith.constant 25 : index
    %swap3A_603 = arith.constant 0 : index
    %swap3A_604 = vector.load %arg5[%swap3A_602, %swap3A_603] : memref<32x128xf32, #tpu.memory_space<vmem>>, vector<1x128xf32>
    tpu.vector_store %arg5[%swap3A_602, %swap3A_603], %mul3A_601 {strides = array<i32>} : memref<32x128xf32, #tpu.memory_space<vmem>>, vector<1x128xf32>,
    %get3A_605 = arith.constant 6 : index
    %get3A_606 = arith.constant 256 : index
    %get3A_607 = vector.load %arg13[%get3A_605, %get3A_606] : memref<8x512xi32, #tpu.memory_space<vmem>>, vector<1x128xi32>
    %swap3A_608 = arith.constant 26 : index
    %swap3A_609 = arith.constant 0 : index
    %swap3A_610 = vector.load %arg4[%swap3A_608, %swap3A_609] : memref<32x128xi32, #tpu.memory_space<vmem>>, vector<1x128xi32>
    tpu.vector_store %arg4[%swap3A_608, %swap3A_609], %get3A_607 {strides = array<i32>} : memref<32x128xi32, #tpu.memory_space<vmem>>, vector<1x128xi32>,
    %get3A_611 = arith.constant 6 : index
    %get3A_612 = arith.constant 256 : index
    %get3A_613 = vector.load %arg14[%get3A_611, %get3A_612] : memref<8x512xf32, #tpu.memory_space<vmem>>, vector<1x128xf32>
    %slice3A_614 = vector.extract_strided_slice %div3A_240 {offsets = [0, 256], sizes = [1, 128], strides = [1, 1]} : vector<1x512xf32> to vector<1x128xf32>
    %mul3A_615 = arith.mulf %get3A_613, %slice3A_614 : vector<1x128xf32>
    %swap3A_616 = arith.constant 26 : index
    %swap3A_617 = arith.constant 0 : index
    %swap3A_618 = vector.load %arg5[%swap3A_616, %swap3A_617] : memref<32x128xf32, #tpu.memory_space<vmem>>, vector<1x128xf32>
    tpu.vector_store %arg5[%swap3A_616, %swap3A_617], %mul3A_615 {strides = array<i32>} : memref<32x128xf32, #tpu.memory_space<vmem>>, vector<1x128xf32>,
    %get3A_619 = arith.constant 6 : index
    %get3A_620 = arith.constant 384 : index
    %get3A_621 = vector.load %arg13[%get3A_619, %get3A_620] : memref<8x512xi32, #tpu.memory_space<vmem>>, vector<1x128xi32>
    %swap3A_622 = arith.constant 27 : index
    %swap3A_623 = arith.constant 0 : index
    %swap3A_624 = vector.load %arg4[%swap3A_622, %swap3A_623] : memref<32x128xi32, #tpu.memory_space<vmem>>, vector<1x128xi32>
    tpu.vector_store %arg4[%swap3A_622, %swap3A_623], %get3A_621 {strides = array<i32>} : memref<32x128xi32, #tpu.memory_space<vmem>>, vector<1x128xi32>,
    %get3A_625 = arith.constant 6 : index
    %get3A_626 = arith.constant 384 : index
    %get3A_627 = vector.load %arg14[%get3A_625, %get3A_626] : memref<8x512xf32, #tpu.memory_space<vmem>>, vector<1x128xf32>
    %slice3A_628 = vector.extract_strided_slice %div3A_240 {offsets = [0, 384], sizes = [1, 128], strides = [1, 1]} : vector<1x512xf32> to vector<1x128xf32>
    %mul3A_629 = arith.mulf %get3A_627, %slice3A_628 : vector<1x128xf32>
    %swap3A_630 = arith.constant 27 : index
    %swap3A_631 = arith.constant 0 : index
    %swap3A_632 = vector.load %arg5[%swap3A_630, %swap3A_631] : memref<32x128xf32, #tpu.memory_space<vmem>>, vector<1x128xf32>
    tpu.vector_store %arg5[%swap3A_630, %swap3A_631], %mul3A_629 {strides = array<i32>} : memref<32x128xf32, #tpu.memory_space<vmem>>, vector<1x128xf32>,
    %get3A_633 = arith.constant 7 : index
    %get3A_634 = arith.constant 0 : index
    %get3A_635 = vector.load %arg13[%get3A_633, %get3A_634] : memref<8x512xi32, #tpu.memory_space<vmem>>, vector<1x128xi32>
    %swap3A_636 = arith.constant 28 : index
    %swap3A_637 = arith.constant 0 : index
    %swap3A_638 = vector.load %arg4[%swap3A_636, %swap3A_637] : memref<32x128xi32, #tpu.memory_space<vmem>>, vector<1x128xi32>
    tpu.vector_store %arg4[%swap3A_636, %swap3A_637], %get3A_635 {strides = array<i32>} : memref<32x128xi32, #tpu.memory_space<vmem>>, vector<1x128xi32>,
    %get3A_639 = arith.constant 7 : index
    %get3A_640 = arith.constant 0 : index
    %get3A_641 = vector.load %arg14[%get3A_639, %get3A_640] : memref<8x512xf32, #tpu.memory_space<vmem>>, vector<1x128xf32>
    %slice3A_642 = vector.extract_strided_slice %div3A_240 {offsets = [0, 0], sizes = [1, 128], strides = [1, 1]} : vector<1x512xf32> to vector<1x128xf32>
    %mul3A_643 = arith.mulf %get3A_641, %slice3A_642 : vector<1x128xf32>
    %swap3A_644 = arith.constant 28 : index
    %swap3A_645 = arith.constant 0 : index
    %swap3A_646 = vector.load %arg5[%swap3A_644, %swap3A_645] : memref<32x128xf32, #tpu.memory_space<vmem>>, vector<1x128xf32>
    tpu.vector_store %arg5[%swap3A_644, %swap3A_645], %mul3A_643 {strides = array<i32>} : memref<32x128xf32, #tpu.memory_space<vmem>>, vector<1x128xf32>,
    %get3A_647 = arith.constant 7 : index
    %get3A_648 = arith.constant 128 : index
    %get3A_649 = vector.load %arg13[%get3A_647, %get3A_648] : memref<8x512xi32, #tpu.memory_space<vmem>>, vector<1x128xi32>
    %swap3A_650 = arith.constant 29 : index
    %swap3A_651 = arith.constant 0 : index
    %swap3A_652 = vector.load %arg4[%swap3A_650, %swap3A_651] : memref<32x128xi32, #tpu.memory_space<vmem>>, vector<1x128xi32>
    tpu.vector_store %arg4[%swap3A_650, %swap3A_651], %get3A_649 {strides = array<i32>} : memref<32x128xi32, #tpu.memory_space<vmem>>, vector<1x128xi32>,
    %get3A_653 = arith.constant 7 : index
    %get3A_654 = arith.constant 128 : index
    %get3A_655 = vector.load %arg14[%get3A_653, %get3A_654] : memref<8x512xf32, #tpu.memory_space<vmem>>, vector<1x128xf32>
    %slice3A_656 = vector.extract_strided_slice %div3A_240 {offsets = [0, 128], sizes = [1, 128], strides = [1, 1]} : vector<1x512xf32> to vector<1x128xf32>
    %mul3A_657 = arith.mulf %get3A_655, %slice3A_656 : vector<1x128xf32>
    %swap3A_658 = arith.constant 29 : index
    %swap3A_659 = arith.constant 0 : index
    %swap3A_660 = vector.load %arg5[%swap3A_658, %swap3A_659] : memref<32x128xf32, #tpu.memory_space<vmem>>, vector<1x128xf32>
    tpu.vector_store %arg5[%swap3A_658, %swap3A_659], %mul3A_657 {strides = array<i32>} : memref<32x128xf32, #tpu.memory_space<vmem>>, vector<1x128xf32>,
    %get3A_661 = arith.constant 7 : index
    %get3A_662 = arith.constant 256 : index
    %get3A_663 = vector.load %arg13[%get3A_661, %get3A_662] : memref<8x512xi32, #tpu.memory_space<vmem>>, vector<1x128xi32>
    %swap3A_664 = arith.constant 30 : index
    %swap3A_665 = arith.constant 0 : index
    %swap3A_666 = vector.load %arg4[%swap3A_664, %swap3A_665] : memref<32x128xi32, #tpu.memory_space<vmem>>, vector<1x128xi32>
    tpu.vector_store %arg4[%swap3A_664, %swap3A_665], %get3A_663 {strides = array<i32>} : memref<32x128xi32, #tpu.memory_space<vmem>>, vector<1x128xi32>,
    %get3A_667 = arith.constant 7 : index
    %get3A_668 = arith.constant 256 : index
    %get3A_669 = vector.load %arg14[%get3A_667, %get3A_668] : memref<8x512xf32, #tpu.memory_space<vmem>>, vector<1x128xf32>
    %slice3A_670 = vector.extract_strided_slice %div3A_240 {offsets = [0, 256], sizes = [1, 128], strides = [1, 1]} : vector<1x512xf32> to vector<1x128xf32>
    %mul3A_671 = arith.mulf %get3A_669, %slice3A_670 : vector<1x128xf32>
    %swap3A_672 = arith.constant 30 : index
    %swap3A_673 = arith.constant 0 : index
    %swap3A_674 = vector.load %arg5[%swap3A_672, %swap3A_673] : memref<32x128xf32, #tpu.memory_space<vmem>>, vector<1x128xf32>
    tpu.vector_store %arg5[%swap3A_672, %swap3A_673], %mul3A_671 {strides = array<i32>} : memref<32x128xf32, #tpu.memory_space<vmem>>, vector<1x128xf32>,
    %get3A_675 = arith.constant 7 : index
    %get3A_676 = arith.constant 384 : index
    %get3A_677 = vector.load %arg13[%get3A_675, %get3A_676] : memref<8x512xi32, #tpu.memory_space<vmem>>, vector<1x128xi32>
    %swap3A_678 = arith.constant 31 : index
    %swap3A_679 = arith.constant 0 : index
    %swap3A_680 = vector.load %arg4[%swap3A_678, %swap3A_679] : memref<32x128xi32, #tpu.memory_space<vmem>>, vector<1x128xi32>
    tpu.vector_store %arg4[%swap3A_678, %swap3A_679], %get3A_677 {strides = array<i32>} : memref<32x128xi32, #tpu.memory_space<vmem>>, vector<1x128xi32>,
    %get3A_681 = arith.constant 7 : index
    %get3A_682 = arith.constant 384 : index
    %get3A_683 = vector.load %arg14[%get3A_681, %get3A_682] : memref<8x512xf32, #tpu.memory_space<vmem>>, vector<1x128xf32>
    %slice3A_684 = vector.extract_strided_slice %div3A_240 {offsets = [0, 384], sizes = [1, 128], strides = [1, 1]} : vector<1x512xf32> to vector<1x128xf32>
    %mul3A_685 = arith.mulf %get3A_683, %slice3A_684 : vector<1x128xf32>
    %swap3A_686 = arith.constant 31 : index
    %swap3A_687 = arith.constant 0 : index
    %swap3A_688 = vector.load %arg5[%swap3A_686, %swap3A_687] : memref<32x128xf32, #tpu.memory_space<vmem>>, vector<1x128xf32>
    tpu.vector_store %arg5[%swap3A_686, %swap3A_687], %mul3A_685 {strides = array<i32>} : memref<32x128xf32, #tpu.memory_space<vmem>>, vector<1x128xf32>,
    %get3A_689 = arith.constant 0 : index
    %get3A_690 = arith.constant 0 : index
    %get3A_691 = vector.load %arg15[%get3A_689, %get3A_690] : memref<64x1xf32, #tpu.memory_space<vmem>>, vector<64x1xf32>
    %slice3A_692 = vector.extract_strided_slice %dot_general3A_208 {offsets = [0, 1], sizes = [64, 1], strides = [1, 1]} : vector<192x8xf32> to vector<64x1xf32>
    %add3A_693 = arith.addf %get3A_691, %slice3A_692 : vector<64x1xf32>
    %swap3A_694 = arith.constant 0 : index
    %swap3A_695 = arith.constant 0 : index
    %swap3A_696 = vector.load %arg15[%swap3A_694, %swap3A_695] : memref<64x1xf32, #tpu.memory_space<vmem>>, vector<64x1xf32>
    tpu.vector_store %arg15[%swap3A_694, %swap3A_695], %add3A_693 {strides = array<i32>} : memref<64x1xf32, #tpu.memory_space<vmem>>, vector<64x1xf32>,
    %get3A_697 = arith.constant 0 : index
    %get3A_698 = arith.constant 0 : index
    %get3A_699 = vector.load %arg16[%get3A_697, %get3A_698] : memref<64x1xf32, #tpu.memory_space<vmem>>, vector<64x1xf32>
    %slice3A_700 = vector.extract_strided_slice %dot_general3A_208 {offsets = [64, 1], sizes = [64, 1], strides = [1, 1]} : vector<192x8xf32> to vector<64x1xf32>
    %add3A_701 = arith.addf %get3A_699, %slice3A_700 : vector<64x1xf32>
    %swap3A_702 = arith.constant 0 : index
    %swap3A_703 = arith.constant 0 : index
    %swap3A_704 = vector.load %arg16[%swap3A_702, %swap3A_703] : memref<64x1xf32, #tpu.memory_space<vmem>>, vector<64x1xf32>
    tpu.vector_store %arg16[%swap3A_702, %swap3A_703], %add3A_701 {strides = array<i32>} : memref<64x1xf32, #tpu.memory_space<vmem>>, vector<64x1xf32>,
    %get3A_705 = arith.constant 0 : index
    %get3A_706 = arith.constant 0 : index
    %get3A_707 = vector.load %arg17[%get3A_705, %get3A_706] : memref<1x1xf32, #tpu.memory_space<vmem>>, vector<1x1xf32>
    %slice3A_708 = vector.extract_strided_slice %dot_general3A_208 {offsets = [128, 1], sizes = [64, 1], strides = [1, 1]} : vector<192x8xf32> to vector<64x1xf32>
    %reduce_sum3A_709 = vector.shape_cast %slice3A_708 : vector<64x1xf32> to vector<1x64x1xf32>
    %reduce_sum3A_710 = arith.constant dense<0.000000e+00> : vector<1xf32>
    %reduce_sum3A_711 = vector.multi_reduction <add>, %reduce_sum3A_709, %reduce_sum3A_710 [1, 2] : vector<1x64x1xf32> to vector<1xf32>
    %reduce_sum3A_712 = vector.shape_cast %reduce_sum3A_711 : vector<1xf32> to vector<1x1x1xf32>
    %reduce_sum3A_713 = vector.extract %reduce_sum3A_712[0, 0, 0] : f32 from vector<1x1x1xf32>
    %broadcast_in_dim3A_714 = vector.broadcast %reduce_sum3A_713 : f32 to vector<1x1xf32>
    %add3A_715 = arith.addf %get3A_707, %broadcast_in_dim3A_714 : vector<1x1xf32>
    %swap3A_716 = arith.constant 0 : index
    %swap3A_717 = arith.constant 0 : index
    %swap3A_718 = vector.load %arg17[%swap3A_716, %swap3A_717] : memref<1x1xf32, #tpu.memory_space<vmem>>, vector<1x1xf32>
    tpu.vector_store %arg17[%swap3A_716, %swap3A_717], %add3A_715 {strides = array<i32>} : memref<1x1xf32, #tpu.memory_space<vmem>>, vector<1x1xf32>,
    %eq3A_719 = arith.constant 15 : i32
    %eq3A_720 = arith.cmpi eq, %arg0, %eq3A_719 : i32
    %convert_element_type3A_721 = arith.extui %eq3A_720 : i1 to i32
    %cond3A_722 = arith.constant 0 : i32
    %cond3A_723 = arith.cmpi ne, %convert_element_type3A_721, %cond3A_722 : i32
    scf.if %cond3A_723 {
      %get3A_724 = arith.constant 0 : index
      %get3A_725 = arith.constant 0 : index
      %get3A_726 = vector.load %arg15[%get3A_724, %get3A_725] : memref<64x1xf32, #tpu.memory_space<vmem>>, vector<64x1xf32>
      %swap3A_727 = arith.constant 0 : index
      %swap3A_728 = arith.constant 0 : index
      %swap3A_729 = vector.load %arg7[%swap3A_727, %swap3A_728] : memref<64x1xf32, #tpu.memory_space<vmem>>, vector<64x1xf32>
      tpu.vector_store %arg7[%swap3A_727, %swap3A_728], %get3A_726 {strides = array<i32>} : memref<64x1xf32, #tpu.memory_space<vmem>>, vector<64x1xf32>,
      %get3A_730 = arith.constant 0 : index
      %get3A_731 = arith.constant 0 : index
      %get3A_732 = vector.load %arg16[%get3A_730, %get3A_731] : memref<64x1xf32, #tpu.memory_space<vmem>>, vector<64x1xf32>
      %div3A_733 = arith.constant 8.192000e+03 : f32
      %div3A_734 = vector.broadcast %div3A_733 : f32 to vector<64x1xf32>
      %div3A_735 = arith.divf %get3A_732, %div3A_734 : vector<64x1xf32>
      %swap3A_736 = arith.constant 0 : index
      %swap3A_737 = arith.constant 0 : index
      %swap3A_738 = vector.load %arg8[%swap3A_736, %swap3A_737] : memref<64x1xf32, #tpu.memory_space<vmem>>, vector<64x1xf32>
      tpu.vector_store %arg8[%swap3A_736, %swap3A_737], %div3A_735 {strides = array<i32>} : memref<64x1xf32, #tpu.memory_space<vmem>>, vector<64x1xf32>,
      %get3A_739 = arith.constant 0 : index
      %get3A_740 = arith.constant 0 : index
      %get3A_741 = vector.load %arg17[%get3A_739, %get3A_740] : memref<1x1xf32, #tpu.memory_space<vmem>>, vector<1x1xf32>
      %div3A_742 = arith.constant 8.192000e+03 : f32
      %div3A_743 = vector.broadcast %div3A_742 : f32 to vector<1x1xf32>
      %div3A_744 = arith.divf %get3A_741, %div3A_743 : vector<1x1xf32>
      %swap3A_745 = arith.constant 0 : index
      %swap3A_746 = arith.constant 0 : index
      %swap3A_747 = vector.load %arg9[%swap3A_745, %swap3A_746] : memref<1x1xf32, #tpu.memory_space<vmem>>, vector<1x1xf32>
      tpu.vector_store %arg9[%swap3A_745, %swap3A_746], %div3A_744 {strides = array<i32>} : memref<1x1xf32, #tpu.memory_space<vmem>>, vector<1x1xf32>,
      %broadcast_in_dim3A_748 = vector.shape_cast %get3A_726 : vector<64x1xf32> to vector<64x1xf32>
      %broadcast_in_dim3A_749 = vector.broadcast %broadcast_in_dim3A_748 : vector<64x1xf32> to vector<64x64xf32>
      %iota3A_750 = tpu.iota {dimensions = array<i32: 0>} : vector<64x64xi32>
      %iota3A_751 = tpu.iota {dimensions = array<i32: 1>} : vector<64x64xi32>
      %eq3A_752 = arith.cmpi eq, %iota3A_750, %iota3A_751 : vector<64x64xi32>
      %jit3A_753 = arith.constant 0.000000e+00 : f32
      %broadcast_in_dim3A_754 = vector.broadcast %jit3A_753 : f32 to vector<64x64xf32>
      %select_n3A_755 = arith.select %eq3A_752, %broadcast_in_dim3A_749, %broadcast_in_dim3A_754 : vector<64x64xi1>, vector<64x64xf32>
      %reduce_sum3A_756 = arith.constant dense<0.000000e+00> : vector<64xf32>
      %reduce_sum3A_757 = vector.multi_reduction <add>, %select_n3A_755, %reduce_sum3A_756 [0] : vector<64x64xf32> to vector<64xf32>
      %broadcast_in_dim3A_758 = vector.shape_cast %reduce_sum3A_757 : vector<64xf32> to vector<1x64xf32>
      %lt3A = vector.broadcast %broadcast_in_dim3A_758 : vector<1x64xf32> to vector<64x64xf32>
      %lt3A_759 = arith.cmpf olt, %lt3A, %broadcast_in_dim3A_749 : vector<64x64xf32>
      %convert_element_type3A_760 = arith.extui %lt3A_759 : vector<64x64xi1> to vector<64x64xi32>
      %convert_element_type3A_761 = arith.sitofp %convert_element_type3A_760 : vector<64x64xi32> to vector<64x64xf32>
      %reduce_sum3A_762 = arith.constant dense<0.000000e+00> : vector<64xf32>
      %reduce_sum3A_763 = vector.multi_reduction <add>, %convert_element_type3A_761, %reduce_sum3A_762 [1] : vector<64x64xf32> to vector<64xf32>
      %broadcast_in_dim3A_764 = vector.shape_cast %reduce_sum3A_763 : vector<64xf32> to vector<64x1xf32>
      %eq3A_765 = vector.broadcast %broadcast_in_dim3A_758 : vector<1x64xf32> to vector<64x64xf32>
      %eq3A_766 = arith.cmpf oeq, %eq3A_765, %broadcast_in_dim3A_749 : vector<64x64xf32>
      %convert_element_type3A_767 = arith.extui %eq3A_766 : vector<64x64xi1> to vector<64x64xi32>
      %convert_element_type3A_768 = arith.sitofp %convert_element_type3A_767 : vector<64x64xi32> to vector<64x64xf32>
      %reduce_sum3A_769 = arith.constant dense<0.000000e+00> : vector<64xf32>
      %reduce_sum3A_770 = vector.multi_reduction <add>, %convert_element_type3A_768, %reduce_sum3A_769 [1] : vector<64x64xf32> to vector<64xf32>
      %broadcast_in_dim3A_771 = vector.shape_cast %reduce_sum3A_770 : vector<64xf32> to vector<64x1xf32>
      %mul3A_772 = arith.constant 2.000000e+00 : f32
      %mul3A_773 = vector.broadcast %mul3A_772 : f32 to vector<64x1xf32>
      %mul3A_774 = arith.mulf %mul3A_773, %broadcast_in_dim3A_764 : vector<64x1xf32>
      %add3A_775 = arith.addf %mul3A_774, %broadcast_in_dim3A_771 : vector<64x1xf32>
      %sub3A_776 = arith.constant 6.400000e+01 : f32
      %sub3A_777 = vector.broadcast %sub3A_776 : f32 to vector<64x1xf32>
      %sub3A_778 = arith.subf %add3A_775, %sub3A_777 : vector<64x1xf32>
      %mul3A_779 = arith.mulf %get3A_726, %sub3A_778 : vector<64x1xf32>
      %reduce_sum3A_780 = vector.shape_cast %mul3A_779 : vector<64x1xf32> to vector<1x64x1xf32>
      %reduce_sum3A_781 = arith.constant dense<0.000000e+00> : vector<1xf32>
      %reduce_sum3A_782 = vector.multi_reduction <add>, %reduce_sum3A_780, %reduce_sum3A_781 [1, 2] : vector<1x64x1xf32> to vector<1xf32>
      %reduce_sum3A_783 = vector.shape_cast %reduce_sum3A_782 : vector<1xf32> to vector<1x1x1xf32>
      %reduce_sum3A_784 = vector.extract %reduce_sum3A_783[0, 0, 0] : f32 from vector<1x1x1xf32>
      %broadcast_in_dim3A_785 = vector.broadcast %reduce_sum3A_784 : f32 to vector<1x1xf32>
      %reduce_sum3A_786 = vector.shape_cast %get3A_726 : vector<64x1xf32> to vector<1x64x1xf32>
      %reduce_sum3A_787 = arith.constant dense<0.000000e+00> : vector<1xf32>
      %reduce_sum3A_788 = vector.multi_reduction <add>, %reduce_sum3A_786, %reduce_sum3A_787 [1, 2] : vector<1x64x1xf32> to vector<1xf32>
      %reduce_sum3A_789 = vector.shape_cast %reduce_sum3A_788 : vector<1xf32> to vector<1x1x1xf32>
      %reduce_sum3A_790 = vector.extract %reduce_sum3A_789[0, 0, 0] : f32 from vector<1x1x1xf32>
      %broadcast_in_dim3A_791 = vector.broadcast %reduce_sum3A_790 : f32 to vector<1x1xf32>
      %mul3A_792 = arith.constant 6.400000e+01 : f32
      %mul3A_793 = vector.broadcast %mul3A_792 : f32 to vector<1x1xf32>
      %mul3A_794 = arith.mulf %mul3A_793, %broadcast_in_dim3A_791 : vector<1x1xf32>
      %add3A_795 = arith.constant 1.000000e-10 : f32
      %add3A_796 = vector.broadcast %add3A_795 : f32 to vector<1x1xf32>
      %add3A_797 = arith.addf %mul3A_794, %add3A_796 : vector<1x1xf32>
      %div3A_798 = arith.divf %broadcast_in_dim3A_785, %add3A_797 : vector<1x1xf32>
      %swap3A_799 = arith.constant 0 : index
      %swap3A_800 = arith.constant 0 : index
      %swap3A_801 = vector.load %arg10[%swap3A_799, %swap3A_800] : memref<1x1xf32, #tpu.memory_space<vmem>>, vector<1x1xf32>
      tpu.vector_store %arg10[%swap3A_799, %swap3A_800], %div3A_798 {strides = array<i32>} : memref<1x1xf32, #tpu.memory_space<vmem>>, vector<1x1xf32>,
      %min3A = arith.constant 1.280000e+03 : f32
      %min3A_802 = vector.broadcast %min3A : f32 to vector<64x1xf32>
      %min3A_803 = arith.minimumf %get3A_726, %min3A_802 : vector<64x1xf32>
      %convert_element_type3A_804 = arith.fptosi %min3A_803 : vector<64x1xf32> to vector<64x1xi32>
      %swap3A_805 = arith.constant 0 : index
      %swap3A_806 = arith.constant 0 : index
      %swap3A_807 = vector.load %arg11[%swap3A_805, %swap3A_806] : memref<64x1xi32, #tpu.memory_space<vmem>>, vector<64x1xi32>
      tpu.vector_store %arg11[%swap3A_805, %swap3A_806], %convert_element_type3A_804 {strides = array<i32>} : memref<64x1xi32, #tpu.memory_space<vmem>>, vector<64x1xi32>,
      %reduce_sum3A_808 = vector.shape_cast %min3A_803 : vector<64x1xf32> to vector<1x64x1xf32>
      %reduce_sum3A_809 = arith.constant dense<0.000000e+00> : vector<1xf32>
      %reduce_sum3A_810 = vector.multi_reduction <add>, %reduce_sum3A_808, %reduce_sum3A_809 [1, 2] : vector<1x64x1xf32> to vector<1xf32>
      %reduce_sum3A_811 = vector.shape_cast %reduce_sum3A_810 : vector<1xf32> to vector<1x1x1xf32>
      %reduce_sum3A_812 = vector.extract %reduce_sum3A_811[0, 0, 0] : f32 from vector<1x1x1xf32>
      %broadcast_in_dim3A_813 = vector.broadcast %reduce_sum3A_812 : f32 to vector<1x1xf32>
      %sub3A_814 = arith.constant 6.553600e+04 : f32
      %sub3A_815 = vector.broadcast %sub3A_814 : f32 to vector<1x1xf32>
      %sub3A_816 = arith.subf %sub3A_815, %broadcast_in_dim3A_813 : vector<1x1xf32>
      %swap3A_817 = arith.constant 0 : index
      %swap3A_818 = arith.constant 0 : index
      %swap3A_819 = vector.load %arg12[%swap3A_817, %swap3A_818] : memref<1x1xf32, #tpu.memory_space<vmem>>, vector<1x1xf32>
      tpu.vector_store %arg12[%swap3A_817, %swap3A_818], %sub3A_816 {strides = array<i32>} : memref<1x1xf32, #tpu.memory_space<vmem>>, vector<1x1xf32>,
    } else {
    }
    return
  }
  func.func @transform_0(%arg0: i32) -> (i32, i32) {
    %c0_i32 = arith.constant 0 : i32
    %c0_i32_0 = arith.constant 0 : i32
    return %arg0, %c0_i32 : i32, i32
  }
  func.func @transform_1(%arg0: i32) -> (i32, i32) {
    %c0_i32 = arith.constant 0 : i32
    %c0_i32_0 = arith.constant 0 : i32
    %c0_i32_1 = arith.constant 0 : i32
    return %c0_i32, %c0_i32_0 : i32, i32
  }
  func.func @transform_2(%arg0: i32) -> (i32, i32) {
    %c0_i32 = arith.constant 0 : i32
    %c0_i32_0 = arith.constant 0 : i32
    %c0_i32_1 = arith.constant 0 : i32
    return %c0_i32, %c0_i32_0 : i32, i32
  }
  func.func @transform_3(%arg0: i32) -> (i32, i32) {
    %c0_i32 = arith.constant 0 : i32
    %c0_i32_0 = arith.constant 0 : i32
    return %arg0, %c0_i32 : i32, i32
  }
  func.func @transform_4(%arg0: i32) -> (i32, i32) {
    %c0_i32 = arith.constant 0 : i32
    %c0_i32_0 = arith.constant 0 : i32
    return %arg0, %c0_i32 : i32, i32
  }
  func.func @transform_5(%arg0: i32) -> (i32, i32, i32) {
    %c0_i32 = arith.constant 0 : i32
    %c0_i32_0 = arith.constant 0 : i32
    %c0_i32_1 = arith.constant 0 : i32
    return %arg0, %c0_i32, %c0_i32_0 : i32, i32, i32
  }
  func.func @transform_6(%arg0: i32) -> (i32, i32) {
    %c0_i32 = arith.constant 0 : i32
    %c0_i32_0 = arith.constant 0 : i32
    %c0_i32_1 = arith.constant 0 : i32
    return %c0_i32, %c0_i32_0 : i32, i32
  }
  func.func @transform_7(%arg0: i32) -> (i32, i32) {
    %c0_i32 = arith.constant 0 : i32
    %c0_i32_0 = arith.constant 0 : i32
    %c0_i32_1 = arith.constant 0 : i32
    return %c0_i32, %c0_i32_0 : i32, i32
  }
  func.func @transform_8(%arg0: i32) -> (i32, i32) {
    %c0_i32 = arith.constant 0 : i32
    %c0_i32_0 = arith.constant 0 : i32
    %c0_i32_1 = arith.constant 0 : i32
    return %c0_i32, %c0_i32_0 : i32, i32
  }
  func.func @transform_9(%arg0: i32) -> (i32, i32) {
    %c0_i32 = arith.constant 0 : i32
    %c0_i32_0 = arith.constant 0 : i32
    %c0_i32_1 = arith.constant 0 : i32
    return %c0_i32, %c0_i32_0 : i32, i32
  }
  func.func @transform_10(%arg0: i32) -> (i32, i32) {
    %c0_i32 = arith.constant 0 : i32
    %c0_i32_0 = arith.constant 0 : i32
    %c0_i32_1 = arith.constant 0 : i32
    return %c0_i32, %c0_i32_0 : i32, i32
  }
  func.func @transform_11(%arg0: i32) -> (i32, i32) {
    %c0_i32 = arith.constant 0 : i32
    %c0_i32_0 = arith.constant 0 : i32
    %c0_i32_1 = arith.constant 0 : i32
    return %c0_i32, %c0_i32_0 : i32, i32
  }
}

</mosaic_0001>

<sc_bundles>
// kernel: kernel.4.cloned.1.call-start
scs
__scs_entry_jumppad:
0x0: {  	(pc) =	sbr.rel $0x88, $3  }
0x1: {  	(tag) =	ssettag $0x0;
	lr =	simm.s32 $0x1  }
0x2: {  	[smem:$0x3F9F] =	sst lr;
	_ =	strace $0xD0000000  }
0x3: {  	_ = 	snop  }
0x4: {  	_ = 	snop  }
0x5: {  	_ = 	snop  }
0x6: {  	_ = 	snop  }
0x7: {  	_ = 	snop  }
__scs_overlays_trampoline_lowered:
0x8: {  	[smem:$0x3FAE] =	sst s0  }
0x9: {  	[smem:$0x3FAF] =	sst s1  }
0xa: {  	[smem:$0x3FB0] =	sst s2  }
0xb: {  	[smem:$0x3FB1] =	sst s3  }
0xc: {  	[smem:$0x3FB2] =	sst s4  }
0xd: {  	[smem:$0x3FB3] =	sst s5  }
0xe: {  	[smem:$0x3FB4] =	sst s6  }
0xf: {  	[smem:$0x3FB5] =	sst s7  }
0x10: {  	[smem:$0x3FB6] =	sst s8  }
0x11: {  	[smem:$0x3FB7] =	sst s9;
	s0 =	simm.s32 @!p0 $0x0  }
0x12: {  	s1 =	sld [smem:$0x3F9D];
	s0 =	simm.s32 @p0 $0x1  }
0x13: {  	[smem:$0x3FB8] =	sst s0;
	s0 =	simm.s32 @!p1 $0x0  }
0x14: {  	s2 =	sld [smem:$0x3F9C];
	s0 =	simm.s32 @p1 $0x1  }
0x15: {  	[smem:$0x3FB9] =	sst s0;
	s0 =	simm.s32 @!p2 $0x0  }
0x16: {  	s3 =	sld [smem:$0x3FDB];
	s0 =	simm.s32 @p2 $0x1  }
0x17: {  	s4 =	simm.s32 $0x1BF5;
	[smem:$0x3FBB] =	sst s0  }
0x18: {  	s0 =	sld [smem:$0x3F9E];
	_ =	swait.ge [sflag:s4], $0x0  }
0x19: {  	s7 =	sld [smem:$0x3F9F]  }
0x1a: {  	s8 =	sadd.s32 $0xFFFFE003, lr  }
0x1b: {  	s9 =	sadd.s32 $0xFFFFFEF7, lr;
	s5 =	simm.s32 $0xFFFFFFFF;
	p2 =	slt.u32 s8, $0xFFFFF086  }
0x1c: {  	p1 =	slt.u32 s9, $0xF7A;
	s5 =	simm.s32 @!p2 $0x0  }
0x1d: {  	s5 =	simm.s32 @p1 $0x1;
	p0 =	seq.s32 s7, s2  }
0x1e: {  	s7 =	smul.u32 @!p0 $0xF7A, s2;
	p2 =	seq.s32 @!p0 s5, $0x0  }
0x1f: {  	s9 =	smul.u32 $0xF7A, s1;
	s8 =	simm.s32 @!p0 $0x1BF5;
	p2 =	por !p2, p0  }
0x20: {  	[sflag:s8] =	ssyncset.s32 @!p0 $0xFFFFF086;
	s6 =	sadd.s32 @!p0 s3, s7;
	s7 =	simm.s32 @!p0 $0x108  }
0x21: {  	s3 =	sadd.s32 s3, s9;
	s6 =	sadd.s32 @!p0 $0x88, s6;
	s7 =	simm.s32 @p2 $0x1082  }
0x22: {  	[simem:s7], [sflag:s8] =	dma.local @!p0 [hbm:s6], $0xF7A  }
0x23: {  	s9 =	sor.u32 $0xD0000000, s2;
	s6 =	simm.s32 $0x108;
	_ =	swait.ge @!p0 [sflag:s8], $0x0  }
0x24: {  	s3 =	sadd.s32 $0x88, s3;
	s6 =	simm.s32 @!p1 $0x1082;
	[sflag:s4] =	ssyncset.s32 $0xFFFFF086  }
0x25: {  	[simem:s6], [sflag:s4] =	dma.local [hbm:s3], $0xF7A  }
0x26: {  	[smem:$0x3F9F] =	sst s1;
	(tag) =	ssettag s2;
	_ =	strace s9  }
0x27: {  	s1 =	sld [smem:$0x3FAF]  }
0x28: {  	s2 =	sld [smem:$0x3FB0]  }
0x29: {  	s4 =	sld [smem:$0x3FB2]  }
0x2a: {  	p0 =	seq.s32 s5, $0x0;
	s5 =	sld [smem:$0x3FB3]  }
0x2b: {  	s6 =	sld [smem:$0x3FB4]  }
0x2c: {  	s7 =	sld [smem:$0x3FB5]  }
0x2d: {  	s3 =	simm.s32 $0x108;
	s8 =	sld [smem:$0x3FB6]  }
0x2e: {  	s3 =	simm.s32 @!p0 $0x1082;
	s9 =	sld [smem:$0x3FB7]  }
0x2f: {  	lr =	sadd.s32 s0, s3;
	s0 =	sld [smem:$0x3FAE]  }
0x30: {  	s3 =	sld [smem:$0x3FB1]  }
0x31: {  	[smem:$0x3FBA] =	sst s10  }
0x32: {  	s10 =	sld [smem:$0x3FB8];
	_ =	sdelay $0x3  }
0x33: {  	p0 =	seq.s32 s10, $0x1;
	s10 =	sld [smem:$0x3FBA];
	_ =	sdelay $0x3  }
0x34: {  	[smem:$0x3FBA] =	sst s10  }
0x35: {  	s10 =	sld [smem:$0x3FB9];
	_ =	sdelay $0x3  }
0x36: {  	p1 =	seq.s32 s10, $0x1;
	s10 =	sld [smem:$0x3FBA];
	_ =	sdelay $0x3  }
0x37: {  	[smem:$0x3FBA] =	sst s10  }
0x38: {  	s10 =	sld [smem:$0x3FBB]  }
0x39: {  	_ = 	snop;
	(pc) =	sbr.ind lr, $3  }
0x3a: {  	_ = 	snop  }
0x3b: {  	_ = 	snop  }
0x3c: {  	p2 =	seq.s32 s10, $0x1;
	s10 =	sld [smem:$0x3FBA]  }
0x3d: {  	_ =	shalt  }
0x3e: {  	_ =	shalt  }
0x3f: {  	_ =	shalt  }
0x40: {  	_ =	shalt  }
0x41: {  	_ =	shalt  }
0x42: {  	_ =	shalt  }
0x43: {  	_ =	shalt  }
0x44: {  	_ =	shalt  }
0x45: {  	_ =	shalt  }
0x46: {  	_ =	shalt  }
0x47: {  	_ =	shalt  }
0x48: {  	_ =	shalt  }
0x49: {  	_ =	shalt  }
0x4a: {  	_ =	shalt  }
0x4b: {  	_ =	shalt  }
0x4c: {  	_ =	shalt  }
0x4d: {  	_ =	shalt  }
0x4e: {  	_ =	shalt  }
0x4f: {  	_ =	shalt  }
0x50: {  	_ =	shalt  }
0x51: {  	_ =	shalt  }
0x52: {  	_ =	shalt  }
0x53: {  	_ =	shalt  }
0x54: {  	_ =	shalt  }
0x55: {  	_ =	shalt  }
0x56: {  	_ =	shalt  }
0x57: {  	_ =	shalt  }
0x58: {  	_ =	shalt  }
0x59: {  	_ =	shalt  }
0x5a: {  	_ =	shalt  }
0x5b: {  	_ =	shalt  }
0x5c: {  	_ =	shalt  }
0x5d: {  	_ =	shalt  }
0x5e: {  	_ =	shalt  }
0x5f: {  	_ =	shalt  }
0x60: {  	_ =	shalt  }
0x61: {  	_ =	shalt  }
0x62: {  	_ =	shalt  }
0x63: {  	_ =	shalt  }
0x64: {  	_ =	shalt  }
0x65: {  	_ =	shalt  }
0x66: {  	_ =	shalt  }
0x67: {  	_ =	shalt  }
0x68: {  	_ =	shalt  }
0x69: {  	_ =	shalt  }
0x6a: {  	_ =	shalt  }
0x6b: {  	_ =	shalt  }
0x6c: {  	_ =	shalt  }
0x6d: {  	_ =	shalt  }
0x6e: {  	_ =	shalt  }
0x6f: {  	_ =	shalt  }
0x70: {  	_ =	shalt  }
0x71: {  	_ =	shalt  }
0x72: {  	_ =	shalt  }
0x73: {  	_ =	shalt  }
0x74: {  	_ =	shalt  }
0x75: {  	_ =	shalt  }
0x76: {  	_ =	shalt  }
0x77: {  	_ =	shalt  }
0x78: {  	_ =	shalt  }
0x79: {  	_ =	shalt  }
0x7a: {  	_ =	shalt  }
0x7b: {  	_ =	shalt  }
0x7c: {  	_ =	shalt  }
0x7d: {  	_ =	shalt  }
0x7e: {  	_ =	shalt  }
0x7f: {  	_ =	shalt  }
0x80: {  	_ =	shalt  }
0x81: {  	_ =	shalt  }
0x82: {  	_ =	shalt  }
0x83: {  	_ =	shalt  }
0x84: {  	_ =	shalt  }
0x85: {  	_ =	shalt  }
0x86: {  	_ =	shalt  }
0x87: {  	_ =	shalt  }
.Lfunc_end0:
.L_simem_size_0:
called_computation_lowered:
.L_overlay_start_0:
0x88: {  	s2 =	sld [smem:$0x3FD9]  }
0x89: {  	s3 =	sld [smem:$0x3FFE];
	_ =	sdelay $0x1  }
0x8a: {  	s1 =	srdreg.scid  }
0x8b: {  	s0 =	sand.u32 $0x1, s1  }
0x8c: {  	s14 =	sshll.u32 s0, $0xA;
	s2 =	sadd.s32 s3, s2  }
0x8d: {  	s2 =	sadd.s32 s2, s14  }
0x8e: {  	[smem:$0x3FC6] =	sst s2  }
0x8f: {  	_ = 	snop  }
0x90: {  	s2 =	sld [smem:$0x3FD0];
	_ =	sdelay $0x2  }
0x91: {  	s15 =	simm.s32 $0xA;
	s4 =	simm.s32 $0x10  }
0x92: {  	[smem:s4], [sflag:s15] =	dma.local [hbm:s2], $0x1  }
0x93: {  	_ =	swait.eq [sflag:s15], $0x1  }
0x94: {  	s16 =	sld [smem:$0x10];
	[sflag:s15] =	ssyncset.done $0x0  }
0x95: {  	s17 =	sld [smem:$0x11];
	[sflag:s15] =	ssyncadd.s32 $0xFFFFFFFF  }
0x96: {  	s18 =	sld [smem:$0x12];
	(tm) =	ssettm $0x1  }
0x97: {  	s5 =	sld [smem:$0x3FFB];
	_ =	sdelay $0x3  }
0x98: {  	_ =	strace s5  }
0x99: {  	s5 =	sld [smem:$0x3FFC];
	_ =	sdelay $0x3  }
0x9a: {  	_ =	strace s5  }
0x9b: {  	s5 =	sld [smem:$0x3FFD];
	_ =	sdelay $0x3  }
0x9c: {  	_ =	strace s5  }
0x9d: {  	_ =	strace $0x8FFFFFFF  }
0x9e: {  	s19 =	sld [smem:$0x3FDB];
	_ =	sdelay $0x1  }
0x9f: {  	s6 =	simm.s32 $_scs_section_size  }
0xa0: {  	s7 =	simm.s32 $_size__tile_overlayer_lowered;
	s8 =	simm.s32 $_tile_overlayer_lowered  }
0xa1: {  	s22 =	simm.s32 $0x1BFF;
	s21 =	sshll.u32 s8, $0x1;
	s5 =	sadd.s32 s6, s19  }
0xa2: {  	s9 =	simm.s32 $0x0;
	s20 =	sshll.u32 s7, $0x1;
	s7 =	sadd.s32 s21, s5  }
0xa3: {  	[timem:s9], [sflag:s22] =	dma.local [hbm:s7], s20  }
0xa4: {  	_ =	swait.ge [sflag:s22], s20  }
0xa5: {  	s6 =	ssub.s32 $0x0, s20;
	[sflag:s22] =	ssyncset.done $0x0  }
0xa6: {  	[sflag:s22] =	ssyncadd.s32 s6;
	_ =	sdelay $0x1  }
0xa7: {  	s23 =	simm.s32 $0x1B8B  }
0xa8: {  	_ =	swait.ge [sflag:s23], $0x1  }
0xa9: {  	[sflag:s23] =	ssyncset.done $0x0  }
0xaa: {  	s25 =	simm.s32 $0x1B8E;
	s24 =	sld [smem:$0x3FFE];
	[sflag:s23] =	ssyncadd.s32 $0xFFFFFFFF  }
0xab: {  	s26 =	simm.s32 $execute0_lowered;
	[smem:$0x3FD2] =	sst s25  }
0xac: {  	s7 =	sshll.u32 s26, $0x1;
	_ =	strace $0x80000046;
	[dreg:$0x1] =	wrdreg $0xFFFFFFFF  }
0xad: {  	s28 =	simm.s32 $_size_execute0_lowered;
	s5 =	sadd.s32 s5, s7;
	[dreg:$0x0] =	wrdreg $0x0  }
0xae: {  	s7 =	sshll.u32 s28, $0x1;
	[dreg:$0x2] =	wrdreg s5  }
0xaf: {  	[dreg:$0x3] =	wrdreg s7  }
0xb0: {  	[dreg:$0x4] =	wrdreg $0xC0  }
0xb1: {  	_ =	task [dreg:s9], $0x5FFFF  }
0xb2: {  	[dreg:$0x1] =	wrdreg $0xFFFFFFFF  }
0xb3: {  	[dreg:$0x0] =	wrdreg $0x60  }
0xb4: {  	[dreg:$0x2] =	wrdreg s18  }
0xb5: {  	[dreg:$0x3] =	wrdreg s17  }
0xb6: {  	[dreg:$0x4] =	wrdreg s24  }
0xb7: {  	[dreg:$0x5] =	wrdreg s16  }
0xb8: {  	[dreg:$0x6] =	wrdreg $0x9  }
0xb9: {  	_ =	task.clear_ibuf [dreg:s9], $0x7FFFF;
	_ =	strace $0x90000046  }
0xba: {  	s29 =	simm.s32 $0x9;
	_ =	strace $0x80000048  }
0xbb: {  	_ =	swait.ge [sflag:s29], $0x1  }
0xbc: {  	[sflag:s29] =	ssyncadd.s32 $0xFFFFFFFF  }
0xbd: {  	_ =	strace $0x90000048  }
0xbe: {  	_ =	sfence  }
0xbf: {  	s30 =	sld [smem:$0x0];
	_ =	sdelay $0x2  }
0xc0: {  	s31 =	sshll.u32 s1, $0xD;
	s1 =	sshrl.u32 s1, $0x2  }
0xc1: {  	s3 =	sand.u32 $0x4000, s31;
	s1 =	sadd.s32 s1, s30  }
0xc2: {  	s0 =	sor.u32 s3, s0;
	s1 =	sshll.u32 s1, $0x11  }
0xc3: {  	s0 =	sor.u32 s1, s0  }
0xc4: {  	s0 =	sadd.s32 $0x8F2B, s0  }
0xc5: {  	[sflag:s0] =	ssyncadd.remote.s32 $0x1  }
0xc6: {  	_ =	sfence.sel $0xFFFF  }
0xc7: {  	[dreg:$0x0] =	wrdreg $0xFFFFFFFF;
	(pc) =	sbr.abs _section_cstart, $3  }
0xc8: {  	[dreg:$0x1] =	wrdreg $0xFFFFFFFF  }
0xc9: {  	_ =	task.clear_ibuf [dreg:s9], $0x2FFFF;
	_ =	strace $0x9FFFFFFF  }
0xca: {  	(tm) =	ssettm $0x7FFFFFFF  }
0xcb: {  	_ =	shalt  }
tec
execute0_lowered:
.L_overlay_start_1:
0x0: {  	(tag) =	ssettag $0x1  }
0x1: {  	s25 =	rddreg [dreg:$0x0]  }
0x2: {  	s0 =	srdreg.scid;
	s19 =	rddreg [dreg:$0x1]  }
0x3: {  	s3 =	stileid.u32;
	s2 =	simm.s32 $0x1;
	s5 =	rddreg [dreg:$0x2]  }
0x4: {  	s21 =	rddreg [dreg:$0x3];
	s1 =	sand.u32 $0x1, s0;
	s24 =	sshll.u32 s3, $0x1  }
0x5: {  	s31 =	simm.s32 $0x0;
	s4 =	sor.u32 s1, s24;
	p1 =	seq.s32 s1, $0x1  }
0x6: {  	s7 =	sshll.u32 s1, $0x6;
	s26 =	ssub.s32 $0x2, s1;
	s1 =	sshll.u32 s1, $0x8  }
0x7: {  	p0 =	seq.s32 s4, $0x0;
	s22 =	sshll.u32 s4, $0x8;
	s28 =	sshrl.u32 s26, $0x1  }
0x8: {  	v0 =	vimm.s32 $0x701;
	vm0 =	vcmask $0x300;
	p0 =	por !p0, !p1;
	s23 =	sadd.s32 s22, s5;
	s24 =	ssub.s32 s26, s28  }
0x9: {  	v0 =	vsel vm0, $0x0, v0;
	vm0 =	vcmask $0x704;
	s21 =	sadd.s32 s21, s22;
	s26 =	simm.s32 $0x1000;
	p0 =	por !p0, !p0  }
0xa: {  	v0 =	vsel vm0, $0x100, v0;
	vm0 =	vcmask $0xB08;
	s22 =	sadd.s32 $0x2A00, s23;
	s23 =	sadd.s32 $0xA00, s23;
	s2 =	simm.s32 @!p0 $0x0  }
0xb: {  	v0 =	vsel vm0, $0x200, v0;
	vm0 =	vcmask $0xF0C;
	s24 =	smax.u32 s24, $0x1;
	s6 =	ssub.s32 s3, s2;
	s2 =	simm.s32 $0x0  }
0xc: {  	v0 =	vsel vm0, $0x300, v0;
	vm0 =	vcmask $0x1310;
	s3 =	sshll.u32 s6, $0x7;
	[smem:$0x7FF] =	sst s2;
	s6 =	sshll.u32 s6, $0xC  }
0xd: {  	v0 =	vsel vm0, $0x400, v0;
	vm0 =	vcmask $0x1714;
	s3 =	sor.u32 s7, s3;
	_ =	strace $0x80000047;
	s1 =	sor.u32 s1, s6  }
0xe: {  	v0 =	vsel vm0, $0x500, v0;
	vm0 =	vcmask $0x1B18;
	s7 =	sshrl.u32 s3, $0x3;
	s3 =	simm.s32 $0x1;
	s1 =	sshrl.u32 s1, $0x3  }
0xf: {  	v0 =	vsel vm0, $0x600, v0;
	vm0 =	vcmask $0x1F1C;
	s20 =	sadd.s32 s7, s5;
	s29 =	sadd.s32 s25, s1;
	s5 =	sadd.s32 s19, s1  }
0x10: {  	v0 =	vsel vm0, $0x700, v0;
	vm0 =	vcmask $0x2320;
	s30 =	sor.u32 $0x40, s1;
	s9 =	sor.u32 $0x80, s1;
	s11 =	sor.u32 $0xC0, s1  }
0x11: {  	v0 =	vsel vm0, $0x1, v0;
	vm0 =	vcmask $0x2724;
	s13 =	sor.u32 $0x100, s1;
	s15 =	sor.u32 $0x140, s1;
	s17 =	sor.u32 $0x180, s1  }
0x12: {  	v0 =	vsel vm0, $0x101, v0;
	vm0 =	vcmask $0x2B28;
	s1 =	sor.u32 $0x1C0, s1;
	[dreg:$0x5] =	wrdreg s29;
	s6 =	sadd.s32 s25, s30  }
0x13: {  	v0 =	vsel vm0, $0x201, v0;
	vm0 =	vcmask $0x2F2C;
	s7 =	sadd.s32 s19, s30;
	s8 =	sadd.s32 s25, s9;
	s9 =	sadd.s32 s19, s9  }
0x14: {  	s10 =	sadd.s32 s25, s11;
	s11 =	sadd.s32 s19, s11;
	s12 =	sadd.s32 s25, s13;
	v0 =	vsel vm0, $0x301, v0;
	vm0 =	vcmask $0x3330  }
0x15: {  	v1 =	vimm.s32 $0x1;
	s13 =	sadd.s32 s19, s13;
	s14 =	sadd.s32 s25, s15;
	s15 =	sadd.s32 s19, s15;
	v0 =	vsel vm0, $0x401, v0;
	vm0 =	vcmask $0x3734  }
0x16: {  	vm1 =	vcmask $0x3F20;
	s16 =	sadd.s32 s25, s17;
	s17 =	sadd.s32 s19, s17;
	s18 =	sadd.s32 s25, s1;
	v0 =	vsel vm0, $0x501, v0;
	vm0 =	vcmask $0x3B38  }
0x17: {  	v2 =	vimm.f32 $0.0e+00;
	s19 =	sadd.s32 s19, s1;
	s20 =	sadd.s32 $0x800, s20;
	s25 =	simm.s32 $0x800;
	v0 =	vsel vm0, $0x601, v0;
	vm0 =	vmmov $0xff  }
.LBB2_1:
0x18: {  	s0 =	rddreg [dreg:$0x5]  }
0x19: {  	[tilespmem:s2], [sflag:$0x1] =	stream.linear.gather [hbm4b:s0+s2], $0x100, $0x38;
	[tilespmem:$0x2880] =	vst v63  }
0x1a: {  	_ = 	snop  }
0x1b: {  	[tilespmem:s25], [sflag:$0x1] =	stream.linear.gather [hbm4b:s5+s2], $0x100, $0x38;
	[tilespmem:$0x2880] =	vst v63  }
0x1c: {  	s1 =	simm.s32 $0x100  }
0x1d: {  	[tilespmem:s1], [sflag:$0x1] =	stream.linear.gather [hbm4b:s6+s2], $0x100, $0x38;
	[tilespmem:$0x2880] =	vst v63  }
0x1e: {  	s4 =	simm.s32 $0x900  }
0x1f: {  	[tilespmem:s4], [sflag:$0x1] =	stream.linear.gather [hbm4b:s7+s2], $0x100, $0x38;
	[tilespmem:$0x2880] =	vst v63  }
0x20: {  	s1 =	simm.s32 $0x200  }
0x21: {  	[tilespmem:s1], [sflag:$0x1] =	stream.linear.gather [hbm4b:s8+s2], $0x100, $0x38;
	[tilespmem:$0x2880] =	vst v63  }
0x22: {  	s4 =	simm.s32 $0xA00  }
0x23: {  	[tilespmem:s4], [sflag:$0x1] =	stream.linear.gather [hbm4b:s9+s2], $0x100, $0x38;
	[tilespmem:$0x2880] =	vst v63  }
0x24: {  	s1 =	simm.s32 $0x300  }
0x25: {  	[tilespmem:s1], [sflag:$0x1] =	stream.linear.gather [hbm4b:s10+s2], $0x100, $0x38;
	[tilespmem:$0x2880] =	vst v63  }
0x26: {  	s4 =	simm.s32 $0xB00  }
0x27: {  	[tilespmem:s4], [sflag:$0x1] =	stream.linear.gather [hbm4b:s11+s2], $0x100, $0x38;
	[tilespmem:$0x2880] =	vst v63  }
0x28: {  	s1 =	simm.s32 $0x400  }
0x29: {  	[tilespmem:s1], [sflag:$0x1] =	stream.linear.gather [hbm4b:s12+s2], $0x100, $0x38;
	[tilespmem:$0x2880] =	vst v63  }
0x2a: {  	s4 =	simm.s32 $0xC00  }
0x2b: {  	[tilespmem:s4], [sflag:$0x1] =	stream.linear.gather [hbm4b:s13+s2], $0x100, $0x38;
	[tilespmem:$0x2880] =	vst v63  }
0x2c: {  	s1 =	simm.s32 $0x500  }
0x2d: {  	[tilespmem:s1], [sflag:$0x1] =	stream.linear.gather [hbm4b:s14+s2], $0x100, $0x38;
	[tilespmem:$0x2880] =	vst v63  }
0x2e: {  	s4 =	simm.s32 $0xD00  }
0x2f: {  	[tilespmem:s4], [sflag:$0x1] =	stream.linear.gather [hbm4b:s15+s2], $0x100, $0x38;
	[tilespmem:$0x2880] =	vst v63  }
0x30: {  	s1 =	simm.s32 $0x600  }
0x31: {  	[tilespmem:s1], [sflag:$0x1] =	stream.linear.gather [hbm4b:s16+s2], $0x100, $0x38;
	[tilespmem:$0x2880] =	vst v63  }
0x32: {  	s4 =	simm.s32 $0xE00  }
0x33: {  	[tilespmem:s4], [sflag:$0x1] =	stream.linear.gather [hbm4b:s17+s2], $0x100, $0x38;
	[tilespmem:$0x2880] =	vst v63  }
0x34: {  	s1 =	simm.s32 $0x700  }
0x35: {  	[tilespmem:s1], [sflag:$0x1] =	stream.linear.gather [hbm4b:s18+s2], $0x100, $0x38;
	[tilespmem:$0x2880] =	vst v63  }
0x36: {  	s4 =	simm.s32 $0xF00  }
0x37: {  	[tilespmem:s4], [sflag:$0x1] =	stream.linear.gather [hbm4b:s19+s2], $0x100, $0x38;
	[tilespmem:$0x2880] =	vst v63  }
0x38: {  	_ = 	snop  }
0x39: {  	[tilespmem:s26], [sflag:$0x1] =	stream.linear.gather [hbm4b:s20+s2], $0x40, $0x38;
	[tilespmem:$0x2880] =	vst v63  }
0x3a: {  	_ =	swait.ge [sflag:s3], $0x100  }
0x3b: {  	[sflag:s3] =	ssyncset.done $0x0  }
0x3c: {  	[sflag:s3] =	ssyncadd.s32 $0xFFFFFF00  }
0x3d: {  	_ =	swait.ge [sflag:s3], $0x100  }
0x3e: {  	[sflag:s3] =	ssyncset.done $0x0  }
0x3f: {  	[sflag:s3] =	ssyncadd.s32 $0xFFFFFF00  }
0x40: {  	_ =	swait.ge [sflag:s3], $0x100  }
0x41: {  	[sflag:s3] =	ssyncset.done $0x0  }
0x42: {  	[sflag:s3] =	ssyncadd.s32 $0xFFFFFF00  }
0x43: {  	_ =	swait.ge [sflag:s3], $0x100  }
0x44: {  	[sflag:s3] =	ssyncset.done $0x0  }
0x45: {  	[sflag:s3] =	ssyncadd.s32 $0xFFFFFF00  }
0x46: {  	_ =	swait.ge [sflag:s3], $0x100  }
0x47: {  	[sflag:s3] =	ssyncset.done $0x0  }
0x48: {  	[sflag:s3] =	ssyncadd.s32 $0xFFFFFF00  }
0x49: {  	_ =	swait.ge [sflag:s3], $0x100  }
0x4a: {  	[sflag:s3] =	ssyncset.done $0x0  }
0x4b: {  	[sflag:s3] =	ssyncadd.s32 $0xFFFFFF00  }
0x4c: {  	_ =	swait.ge [sflag:s3], $0x100  }
0x4d: {  	[sflag:s3] =	ssyncset.done $0x0  }
0x4e: {  	[sflag:s3] =	ssyncadd.s32 $0xFFFFFF00  }
0x4f: {  	_ =	swait.ge [sflag:s3], $0x100  }
0x50: {  	[sflag:s3] =	ssyncset.done $0x0  }
0x51: {  	[sflag:s3] =	ssyncadd.s32 $0xFFFFFF00  }
0x52: {  	_ =	swait.ge [sflag:s3], $0x100  }
0x53: {  	[sflag:s3] =	ssyncset.done $0x0  }
0x54: {  	[sflag:s3] =	ssyncadd.s32 $0xFFFFFF00  }
0x55: {  	_ =	swait.ge [sflag:s3], $0x100  }
0x56: {  	[sflag:s3] =	ssyncset.done $0x0  }
0x57: {  	[sflag:s3] =	ssyncadd.s32 $0xFFFFFF00  }
0x58: {  	_ =	swait.ge [sflag:s3], $0x100  }
0x59: {  	[sflag:s3] =	ssyncset.done $0x0  }
0x5a: {  	[sflag:s3] =	ssyncadd.s32 $0xFFFFFF00  }
0x5b: {  	_ =	swait.ge [sflag:s3], $0x100  }
0x5c: {  	[sflag:s3] =	ssyncset.done $0x0  }
0x5d: {  	[sflag:s3] =	ssyncadd.s32 $0xFFFFFF00  }
0x5e: {  	_ =	swait.ge [sflag:s3], $0x100  }
0x5f: {  	[sflag:s3] =	ssyncset.done $0x0  }
0x60: {  	[sflag:s3] =	ssyncadd.s32 $0xFFFFFF00  }
0x61: {  	_ =	swait.ge [sflag:s3], $0x100  }
0x62: {  	[sflag:s3] =	ssyncset.done $0x0  }
0x63: {  	[sflag:s3] =	ssyncadd.s32 $0xFFFFFF00  }
0x64: {  	_ =	swait.ge [sflag:s3], $0x100  }
0x65: {  	[sflag:s3] =	ssyncset.done $0x0  }
0x66: {  	[sflag:s3] =	ssyncadd.s32 $0xFFFFFF00  }
0x67: {  	_ =	swait.ge [sflag:s3], $0x100  }
0x68: {  	[sflag:s3] =	ssyncset.done $0x0  }
0x69: {  	[sflag:s3] =	ssyncadd.s32 $0xFFFFFF00  }
0x6a: {  	s28 =	simm.s32 $0x20C0;
	_ =	swait.ge [sflag:s3], $0x40  }
0x6b: {  	s29 =	simm.s32 $0x10C0;
	s30 =	simm.s32 $0x18C0;
	[sflag:s3] =	ssyncset.done $0x0  }
0x6c: {  	s0 =	simm.s32 $0xE;
	s1 =	simm.s32 $0xFFFFFFF8;
	[sflag:s3] =	ssyncadd.s32 $0xFFFFFFC0  }
.LBB2_2:
0x6d: {  	s4 =	sadd.s32 $0xFFFFFFF2, s0  }
0x6e: {  	v3 =	vor.u32 s4, v0;
	_ =	sdelay $0x4  }
0x6f: {  	v4 =	vld.idx.msk [tilespmem:v3+s2+$0x0], $0xffff;
	_ =	sdelay $0x6  }
0x70: {  	v3 =	vld.idx.msk [tilespmem:v3+s25+$0x0], $0xffff  }
0x71: {  	v5 =	vld.idx.msk [tilespmem:v4+s26+$0x0], $0xff  }
0x72: {  	[tilespmem:v4+s26+$0x0] =	vst.idx.add.s32.msk $0xff, v1  }
0x73: {  	v6 =	vld.idx.msk [tilespmem:v4+s26+$0x0], vm1;
	_ =	sdelay $0x4  }
0x74: {  	v5 =	vsel vm0, v5, v6  }
0x75: {  	vm2 =	vlt.s32 v5, $0x500  }
0x76: {  	vm3 =	vmand vm2, vm0  }
0x77: {  	v20 =	vmpcnt.ones.xlane vm2;
	v19 =	vmpcnt.ones.xlane vm3;
	_ =	sdelay $0x1  }
0x78: {  	v6 =	vsub.s32 v20, v19  }
0x79: {  	v5 =	vsel vm0, v19, v6  }
0x7a: {  	v5 =	vcvt.s32.f32 v5;
	_ =	sdelay $0x1  }
0x7b: {  	v5 =	vadd.f32 $1.000000010e-10, v5;
	_ =	sdelay $0x1  }
0x7c: {  	(erf) = vrcp.f32 v5;
	_ =	sdelay $0x6  }
0x7d: {  	s4 =	sadd.s32 $0xFFFFFFF4, s0;
	v21 =	vsel vm2, $0x3F800000, v2  }
0x7e: {  	v22 =	vor.u32 s4, v0;
	v3 =	vmul.f32 v21, v3  }
0x7f: {  	[tilespmem:v4+s26+$0x0] =	vst.idx.add.s32.msk vm1, v1;
	v7 =	vpop (erf)  }
0x80: {  	[tilespmem:s29+$0xFFFFFFC0] =	vst v4;
	v3 =	vmul.f32 v7, v3  }
0x81: {  	[tilespmem:s30+$0xFFFFFFC0] =	vst v21  }
0x82: {  	[tilespmem:s28+$0xFFFFFFC0] =	vst v3  }
0x83: {  	v3 =	vld.idx.msk [tilespmem:v22+s2+$0x0], $0xffff;
	_ =	sdelay $0x6  }
0x84: {  	v4 =	vld.idx.msk [tilespmem:v22+s25+$0x0], $0xffff  }
0x85: {  	v5 =	vld.idx.msk [tilespmem:v3+s26+$0x0], $0xff  }
0x86: {  	[tilespmem:v3+s26+$0x0] =	vst.idx.add.s32.msk $0xff, v1  }
0x87: {  	v23 =	vld.idx.msk [tilespmem:v3+s26+$0x0], vm1;
	_ =	sdelay $0x4  }
0x88: {  	v5 =	vsel vm0, v5, v23  }
0x89: {  	vm2 =	vlt.s32 v5, $0x500  }
0x8a: {  	vm3 =	vmand vm2, vm0  }
0x8b: {  	v25 =	vmpcnt.ones.xlane vm2;
	v24 =	vmpcnt.ones.xlane vm3;
	_ =	sdelay $0x1  }
0x8c: {  	v6 =	vsub.s32 v25, v24  }
0x8d: {  	v5 =	vsel vm0, v24, v6  }
0x8e: {  	v5 =	vcvt.s32.f32 v5;
	_ =	sdelay $0x1  }
0x8f: {  	v5 =	vadd.f32 $1.000000010e-10, v5;
	_ =	sdelay $0x1  }
0x90: {  	(erf) = vrcp.f32 v5;
	_ =	sdelay $0x6  }
0x91: {  	s4 =	sadd.s32 $0xFFFFFFF6, s0;
	v26 =	vsel vm2, $0x3F800000, v2  }
0x92: {  	v27 =	vor.u32 s4, v0;
	v4 =	vmul.f32 v26, v4  }
0x93: {  	[tilespmem:v3+s26+$0x0] =	vst.idx.add.s32.msk vm1, v1;
	v28 =	vpop (erf)  }
0x94: {  	[tilespmem:s29+$0xFFFFFFD0] =	vst v3;
	v4 =	vmul.f32 v28, v4  }
0x95: {  	[tilespmem:s30+$0xFFFFFFD0] =	vst v26  }
0x96: {  	[tilespmem:s28+$0xFFFFFFD0] =	vst v4  }
0x97: {  	v3 =	vld.idx.msk [tilespmem:v27+s2+$0x0], $0xffff;
	_ =	sdelay $0x6  }
0x98: {  	v4 =	vld.idx.msk [tilespmem:v27+s25+$0x0], $0xffff  }
0x99: {  	v5 =	vld.idx.msk [tilespmem:v3+s26+$0x0], $0xff  }
0x9a: {  	[tilespmem:v3+s26+$0x0] =	vst.idx.add.s32.msk $0xff, v1  }
0x9b: {  	v29 =	vld.idx.msk [tilespmem:v3+s26+$0x0], vm1;
	_ =	sdelay $0x4  }
0x9c: {  	v5 =	vsel vm0, v5, v29  }
0x9d: {  	vm2 =	vlt.s32 v5, $0x500  }
0x9e: {  	vm3 =	vmand vm2, vm0  }
0x9f: {  	v31 =	vmpcnt.ones.xlane vm2;
	v30 =	vmpcnt.ones.xlane vm3;
	_ =	sdelay $0x1  }
0xa0: {  	v6 =	vsub.s32 v31, v30  }
0xa1: {  	v5 =	vsel vm0, v30, v6  }
0xa2: {  	v5 =	vcvt.s32.f32 v5;
	_ =	sdelay $0x1  }
0xa3: {  	v5 =	vadd.f32 $1.000000010e-10, v5;
	_ =	sdelay $0x1  }
0xa4: {  	(erf) = vrcp.f32 v5;
	_ =	sdelay $0x6  }
0xa5: {  	s4 =	sadd.s32 $0xFFFFFFF8, s0;
	v32 =	vsel vm2, $0x3F800000, v2  }
0xa6: {  	v33 =	vor.u32 s4, v0;
	v4 =	vmul.f32 v32, v4  }
0xa7: {  	[tilespmem:v3+s26+$0x0] =	vst.idx.add.s32.msk vm1, v1;
	v34 =	vpop (erf)  }
0xa8: {  	[tilespmem:s29+$0xFFFFFFE0] =	vst v3;
	v4 =	vmul.f32 v34, v4  }
0xa9: {  	[tilespmem:s30+$0xFFFFFFE0] =	vst v32  }
0xaa: {  	[tilespmem:s28+$0xFFFFFFE0] =	vst v4  }
0xab: {  	v3 =	vld.idx.msk [tilespmem:v33+s2+$0x0], $0xffff;
	_ =	sdelay $0x6  }
0xac: {  	v4 =	vld.idx.msk [tilespmem:v33+s25+$0x0], $0xffff  }
0xad: {  	v5 =	vld.idx.msk [tilespmem:v3+s26+$0x0], $0xff  }
0xae: {  	[tilespmem:v3+s26+$0x0] =	vst.idx.add.s32.msk $0xff, v1  }
0xaf: {  	v35 =	vld.idx.msk [tilespmem:v3+s26+$0x0], vm1;
	_ =	sdelay $0x4  }
0xb0: {  	v5 =	vsel vm0, v5, v35  }
0xb1: {  	vm2 =	vlt.s32 v5, $0x500  }
0xb2: {  	vm3 =	vmand vm2, vm0  }
0xb3: {  	v37 =	vmpcnt.ones.xlane vm2;
	v36 =	vmpcnt.ones.xlane vm3;
	_ =	sdelay $0x1  }
0xb4: {  	v6 =	vsub.s32 v37, v36  }
0xb5: {  	v5 =	vsel vm0, v36, v6  }
0xb6: {  	v5 =	vcvt.s32.f32 v5;
	_ =	sdelay $0x1  }
0xb7: {  	v5 =	vadd.f32 $1.000000010e-10, v5;
	_ =	sdelay $0x1  }
0xb8: {  	(erf) = vrcp.f32 v5;
	_ =	sdelay $0x6  }
0xb9: {  	s4 =	sadd.s32 $0xFFFFFFFA, s0;
	v38 =	vsel vm2, $0x3F800000, v2  }
0xba: {  	v39 =	vor.u32 s4, v0;
	v4 =	vmul.f32 v38, v4  }
0xbb: {  	[tilespmem:v3+s26+$0x0] =	vst.idx.add.s32.msk vm1, v1;
	v40 =	vpop (erf)  }
0xbc: {  	[tilespmem:s29+$0xFFFFFFF0] =	vst v3;
	v4 =	vmul.f32 v40, v4  }
0xbd: {  	[tilespmem:s30+$0xFFFFFFF0] =	vst v38  }
0xbe: {  	[tilespmem:s28+$0xFFFFFFF0] =	vst v4  }
0xbf: {  	v3 =	vld.idx.msk [tilespmem:v39+s2+$0x0], $0xffff;
	_ =	sdelay $0x6  }
0xc0: {  	v4 =	vld.idx.msk [tilespmem:v39+s25+$0x0], $0xffff  }
0xc1: {  	v5 =	vld.idx.msk [tilespmem:v3+s26+$0x0], $0xff  }
0xc2: {  	[tilespmem:v3+s26+$0x0] =	vst.idx.add.s32.msk $0xff, v1  }
0xc3: {  	v41 =	vld.idx.msk [tilespmem:v3+s26+$0x0], vm1;
	_ =	sdelay $0x4  }
0xc4: {  	v5 =	vsel vm0, v5, v41  }
0xc5: {  	vm2 =	vlt.s32 v5, $0x500  }
0xc6: {  	vm3 =	vmand vm2, vm0  }
0xc7: {  	v43 =	vmpcnt.ones.xlane vm2;
	v42 =	vmpcnt.ones.xlane vm3;
	_ =	sdelay $0x1  }
0xc8: {  	v6 =	vsub.s32 v43, v42  }
0xc9: {  	v5 =	vsel vm0, v42, v6  }
0xca: {  	v5 =	vcvt.s32.f32 v5;
	_ =	sdelay $0x1  }
0xcb: {  	v5 =	vadd.f32 $1.000000010e-10, v5;
	_ =	sdelay $0x1  }
0xcc: {  	(erf) = vrcp.f32 v5;
	_ =	sdelay $0x6  }
0xcd: {  	s4 =	sadd.s32 $0xFFFFFFFC, s0;
	v44 =	vsel vm2, $0x3F800000, v2  }
0xce: {  	v45 =	vor.u32 s4, v0;
	v4 =	vmul.f32 v44, v4  }
0xcf: {  	[tilespmem:v3+s26+$0x0] =	vst.idx.add.s32.msk vm1, v1;
	v46 =	vpop (erf)  }
0xd0: {  	[tilespmem:s29+$0x0] =	vst v3;
	v4 =	vmul.f32 v46, v4  }
0xd1: {  	[tilespmem:s30+$0x0] =	vst v44  }
0xd2: {  	[tilespmem:s28+$0x0] =	vst v4  }
0xd3: {  	v3 =	vld.idx.msk [tilespmem:v45+s2+$0x0], $0xffff;
	_ =	sdelay $0x6  }
0xd4: {  	v4 =	vld.idx.msk [tilespmem:v45+s25+$0x0], $0xffff  }
0xd5: {  	v5 =	vld.idx.msk [tilespmem:v3+s26+$0x0], $0xff  }
0xd6: {  	[tilespmem:v3+s26+$0x0] =	vst.idx.add.s32.msk $0xff, v1  }
0xd7: {  	v47 =	vld.idx.msk [tilespmem:v3+s26+$0x0], vm1;
	_ =	sdelay $0x4  }
0xd8: {  	v5 =	vsel vm0, v5, v47  }
0xd9: {  	vm2 =	vlt.s32 v5, $0x500  }
0xda: {  	vm3 =	vmand vm2, vm0  }
0xdb: {  	v49 =	vmpcnt.ones.xlane vm2;
	v48 =	vmpcnt.ones.xlane vm3;
	_ =	sdelay $0x1  }
0xdc: {  	v6 =	vsub.s32 v49, v48  }
0xdd: {  	v5 =	vsel vm0, v48, v6  }
0xde: {  	v5 =	vcvt.s32.f32 v5;
	_ =	sdelay $0x1  }
0xdf: {  	v5 =	vadd.f32 $1.000000010e-10, v5;
	_ =	sdelay $0x1  }
0xe0: {  	(erf) = vrcp.f32 v5;
	_ =	sdelay $0x6  }
0xe1: {  	s4 =	sadd.s32 $0xFFFFFFFE, s0;
	v50 =	vsel vm2, $0x3F800000, v2  }
0xe2: {  	v51 =	vor.u32 s4, v0;
	v4 =	vmul.f32 v50, v4  }
0xe3: {  	[tilespmem:v3+s26+$0x0] =	vst.idx.add.s32.msk vm1, v1;
	v52 =	vpop (erf)  }
0xe4: {  	[tilespmem:s29+$0x10] =	vst v3;
	v4 =	vmul.f32 v52, v4  }
0xe5: {  	[tilespmem:s30+$0x10] =	vst v50  }
0xe6: {  	[tilespmem:s28+$0x10] =	vst v4  }
0xe7: {  	v3 =	vld.idx.msk [tilespmem:v51+s2+$0x0], $0xffff;
	_ =	sdelay $0x6  }
0xe8: {  	v4 =	vld.idx.msk [tilespmem:v51+s25+$0x0], $0xffff  }
0xe9: {  	v5 =	vld.idx.msk [tilespmem:v3+s26+$0x0], $0xff  }
0xea: {  	[tilespmem:v3+s26+$0x0] =	vst.idx.add.s32.msk $0xff, v1  }
0xeb: {  	v53 =	vld.idx.msk [tilespmem:v3+s26+$0x0], vm1;
	_ =	sdelay $0x4  }
0xec: {  	v5 =	vsel vm0, v5, v53  }
0xed: {  	vm2 =	vlt.s32 v5, $0x500  }
0xee: {  	vm3 =	vmand vm2, vm0  }
0xef: {  	v55 =	vmpcnt.ones.xlane vm2;
	v54 =	vmpcnt.ones.xlane vm3;
	_ =	sdelay $0x1  }
0xf0: {  	v6 =	vsub.s32 v55, v54  }
0xf1: {  	v5 =	vsel vm0, v54, v6  }
0xf2: {  	v5 =	vcvt.s32.f32 v5;
	_ =	sdelay $0x1  }
0xf3: {  	v5 =	vadd.f32 $1.000000010e-10, v5;
	_ =	sdelay $0x1  }
0xf4: {  	(erf) = vrcp.f32 v5;
	_ =	sdelay $0x6  }
0xf5: {  	v56 =	vsel vm2, $0x3F800000, v2  }
0xf6: {  	v57 =	vor.u32 s0, v0;
	v4 =	vmul.f32 v56, v4  }
0xf7: {  	[tilespmem:v3+s26+$0x0] =	vst.idx.add.s32.msk vm1, v1;
	v58 =	vpop (erf)  }
0xf8: {  	[tilespmem:s29+$0x20] =	vst v3;
	v4 =	vmul.f32 v58, v4  }
0xf9: {  	[tilespmem:s30+$0x20] =	vst v56  }
0xfa: {  	[tilespmem:s28+$0x20] =	vst v4  }
0xfb: {  	v3 =	vld.idx.msk [tilespmem:v57+s2+$0x0], $0xffff;
	_ =	sdelay $0x6  }
0xfc: {  	v4 =	vld.idx.msk [tilespmem:v57+s25+$0x0], $0xffff  }
0xfd: {  	v5 =	vld.idx.msk [tilespmem:v3+s26+$0x0], $0xff  }
0xfe: {  	[tilespmem:v3+s26+$0x0] =	vst.idx.add.s32.msk $0xff, v1  }
0xff: {  	v59 =	vld.idx.msk [tilespmem:v3+s26+$0x0], vm1;
	_ =	sdelay $0x4  }
0x100: {  	v5 =	vsel vm0, v5, v59  }
0x101: {  	vm2 =	vlt.s32 v5, $0x500  }
0x102: {  	vm3 =	vmand vm2, vm0  }
0x103: {  	v61 =	vmpcnt.ones.xlane vm2;
	v60 =	vmpcnt.ones.xlane vm3;
	_ =	sdelay $0x1  }
0x104: {  	v6 =	vsub.s32 v61, v60  }
0x105: {  	v5 =	vsel vm0, v60, v6  }
0x106: {  	v5 =	vcvt.s32.f32 v5;
	_ =	sdelay $0x1  }
0x107: {  	v5 =	vadd.f32 $1.000000010e-10, v5;
	_ =	sdelay $0x1  }
0x108: {  	(erf) = vrcp.f32 v5;
	_ =	sdelay $0x5  }
0x109: {  	s1 =	sadd.s32 $0x8, s1  }
0x10a: {  	p0 =	slt.u32 s1, $0x78;
	v62 =	vsel vm2, $0x3F800000, v2  }
.Ltmp0:
0x10b: {  	v4 =	vmul.f32 v62, v4;
	(pc) =	sbr.rel @p0 .LBB2_2-.Ltmp0, $4  }
0x10c: {  	[tilespmem:v3+s26+$0x0] =	vst.idx.add.s32.msk vm1, v1;
	v63 =	vpop (erf)  }
0x10d: {  	[tilespmem:s29+$0x30] =	vst v3;
	v4 =	vmul.f32 v63, v4  }
0x10e: {  	s0 =	sadd.s32 $0x10, s0;
	[tilespmem:s30+$0x30] =	vst v62  }
0x10f: {  	s29 =	sadd.s32 $0x80, s29;
	s30 =	sadd.s32 $0x80, s30;
	[tilespmem:s28+$0x30] =	vst v4;
	s28 =	sadd.s32 $0x80, s28  }
0x110: {  	s0 =	simm.s32 $0x1080  }
0x111: {  	[hbm4b:s21+s2] =	stream.linear.scatter [tilespmem:s0], [sflag:$0x1], $0x800, $0x38;
	[tilespmem:$0x2880] =	vst v63  }
0x112: {  	s29 =	simm.s32 $0x1880  }
0x113: {  	[hbm4b:s22+s2] =	stream.linear.scatter [tilespmem:s29], [sflag:$0x1], $0x800, $0x38;
	[tilespmem:$0x2880] =	vst v63  }
0x114: {  	s30 =	simm.s32 $0x2080  }
0x115: {  	[hbm4b:s23+s2] =	stream.linear.scatter [tilespmem:s30], [sflag:$0x1], $0x800, $0x38;
	[tilespmem:$0x2880] =	vst v63  }
0x116: {  	_ =	swait.ge [sflag:s3], $0x800  }
0x117: {  	[sflag:s3] =	ssyncset.done $0x0  }
0x118: {  	s31 =	sadd.s32 $0x1, s31;
	[sflag:s3] =	ssyncadd.s32 $0xFFFFF800  }
0x119: {  	p0 =	sne.s32 s31, s24;
	_ =	swait.ge [sflag:s3], $0x800  }
.Ltmp1:
0x11a: {  	[sflag:s3] =	ssyncset.done $0x0;
	(pc) =	sbr.rel @p0 .LBB2_1-.Ltmp1, $4  }
0x11b: {  	[sflag:s3] =	ssyncadd.s32 $0xFFFFF800  }
0x11c: {  	_ =	swait.ge [sflag:s3], $0x800  }
0x11d: {  	[sflag:s3] =	ssyncset.done $0x0  }
0x11e: {  	[sflag:s3] =	ssyncadd.s32 $0xFFFFF800  }
0x11f: {  	_ =	sfence.sel $0x180000  }
0x120: {  	[bflag:$0x0] =	sbarrier.arrive $0xFFFF  }
0x121: {  	_ =	strace $0x90000047  }
0x122: {  	s0 =	stileid.u32;
	[bflag:$0x2] =	sbarrier.arrive $0xFFFF  }
0x123: {  	p0 =	sne.s32 s0, $0x0;
	s0 =	rddreg [dreg:$0x4]  }
0x124: {  	s0 =	sadd.s32 @!p0 $0x100000, s0  }
0x125: {  	[sflag:s0] =	ssyncadd.tile.s32 @!p0 $0x1;
	_ =	shalt  }
.Lfunc_end2:
_tile_overlayer_lowered:
.L_overlay_start_2:
0x126: {  	(tag) =	ssettag $0x2  }
0x127: {  	s0 =	rddreg [dreg:$0x0];
	s2 =	stileid.u32  }
0x128: {  	s1 =	rddreg [dreg:$0x1];
	p0 =	sne.s32 s2, $0x0  }
0x129: {  	s3 =	rddreg [dreg:$0x2];
	[bflag:$0x3] =	sbarrier.arrive $0xFFFF;
	s2 =	simm.s32 @!p0 $0x1C02  }
0x12a: {  	[timem:s3], [sflag:s2] =	dma.local @!p0 [hbm:s0], s1  }
0x12b: {  	s0 =	simm.s32 @!p0 $0x2  }
0x12c: {  	_ =	swait.ge @!p0 [sflag:s0], s1  }
0x12d: {  	s1 =	ssub.s32 @!p0 $0x0, s1;
	[sflag:s0] =	ssyncset.done @!p0 $0x0  }
0x12e: {  	[sflag:s0] =	ssyncadd.s32 @!p0 s1  }
0x12f: {  	[bflag:$0x3] =	sbarrier.arrive $0xFFFF  }
0x130: {  	_ =	shalt  }

</sc_bundles>
